<compile_context>
chip_gen: v7x
topology: tpu7x:2x2x1
jax: 0.10.2.dev20260603
libtpu: 0.0.44.dev20260713+nightly
codegen_flags: <defaults>
</compile_context>

<pallas_src>
import functools

import jax
import jax.numpy as jnp
from jax import lax
from jax.experimental import pallas as pl
from jax.experimental.pallas import tpu as pltpu
from jax.experimental.pallas import tpu_sc as plsc

N_NODES = 10000
N_EDGES = 320000
NODE_DIM = 128
EDGE_DIM = 16
HIDDEN_DIM = 32

NC = 2
NS = 16
NW = NC * NS
CH = 128
NT = N_EDGES // CH
MAXCH = 79
IDX_PRE = MAXCH * CH
NBUF = 8
AHEAD = 4
NOUTER = 10
QROWS = N_EDGES // 4
QTILES = NT // 4


def _proj_body(nf_ref, wa_ref, wb_ref, pa_ref, pb_ref):
    nf = nf_ref[...]
    pa_ref[...] = jnp.dot(nf, wa_ref[...], preferred_element_type=jnp.float32)
    pb_ref[...] = jnp.dot(nf, wb_ref[...], preferred_element_type=jnp.float32)


_proj_call = pl.pallas_call(
    _proj_body,
    out_shape=[
        jax.ShapeDtypeStruct((N_NODES, HIDDEN_DIM), jnp.float32),
        jax.ShapeDtypeStruct((N_NODES, HIDDEN_DIM), jnp.float32),
    ],
)


_mesh = plsc.VectorSubcoreMesh(
    core_axis_name="c", subcore_axis_name="s", num_cores=NC, num_subcores=NS
)


@functools.partial(
    pl.kernel,
    out_type=jax.ShapeDtypeStruct((QROWS, 4 * HIDDEN_DIM), jnp.float32),
    mesh=_mesh,
    scratch_types=[
        pltpu.VMEM((IDX_PRE,), jnp.int32),
        pltpu.VMEM((IDX_PRE,), jnp.int32),
        pltpu.VMEM((NBUF, CH, HIDDEN_DIM), jnp.float32),
        [pltpu.SemaphoreType.DMA] * NBUF,
        [pltpu.SemaphoreType.DMA] * NBUF,
        [pltpu.SemaphoreType.DMA] * NBUF,
    ],
    compiler_params=pltpu.CompilerParams(use_tc_tiling_on_sc=False,
                                         needs_layout_passes=False),
)
def _gather2(pa_hbm, pb_hbm, src_hbm, dst_hbm, g_hbm,
             src_all, dst_all, a_v, gasems, gbsems, ssems):
    wid = lax.axis_index("s") * NC + lax.axis_index("c")
    t0 = wid * NT // NW
    t1 = (wid + 1) * NT // NW
    nch = t1 - t0
    q = wid // 8
    r0base = (t0 - q * QTILES) * CH

    pltpu.sync_copy(src_hbm.at[pl.ds(t0 * CH, IDX_PRE)], src_all)
    pltpu.sync_copy(dst_hbm.at[pl.ds(t0 * CH, IDX_PRE)], dst_all)

    def ga_issue(i, b):
        pltpu.async_copy(
            pa_hbm.at[src_all.at[pl.ds(i * CH, CH)]], a_v.at[b], gasems[b])

    def ga_wait(i, b):
        pltpu.make_async_copy(
            pa_hbm.at[src_all.at[pl.ds(i * CH, CH)]], a_v.at[b],
            gasems[b]).wait()

    def gb_issue(i, b):
        pltpu.async_copy(
            pb_hbm.at[dst_all.at[pl.ds(i * CH, CH)]], a_v.at[b], gbsems[b],
            add=True)

    def gb_wait(i, b):
        pltpu.make_async_copy(
            pb_hbm.at[dst_all.at[pl.ds(i * CH, CH)]], a_v.at[b],
            gbsems[b]).wait()

    def store(i, b):
        r0 = r0base + i * CH
        col = pl.ds(q * HIDDEN_DIM, HIDDEN_DIM)
        return pltpu.make_async_copy(
            a_v.at[b], g_hbm.at[pl.ds(r0, CH), col], ssems[b])

    for b in range(AHEAD):
        ga_issue(b, b)
    for b in range(2):
        ga_wait(b, b)
        gb_issue(b, b)

    def outer(t, carry):
        for b in range(NBUF):
            i = t * NBUF + b

            @pl.when(i < nch)
            def _():
                gb_wait(i, b)
                store(i, b).start()

            @pl.when(i + 2 < nch)
            def _():
                b2 = (b + 2) % NBUF
                ga_wait(i + 2, b2)
                gb_issue(i + 2, b2)

            @pl.when(i + AHEAD < nch)
            def _():
                b4 = (b + AHEAD) % NBUF

                @pl.when(i >= AHEAD)
                def _():
                    store(i - AHEAD, b4).wait()

                ga_issue(i + AHEAD, b4)

        return carry

    lax.fori_loop(0, NOUTER, outer, 0)

    for b in range(NBUF):
        store(0, b).wait()


_GR = 3200
_NBLK = QROWS // _GR


def _mlp_body(g_ref, e0_ref, e1_ref, e2_ref, e3_ref,
              w1et_ref, b1_ref, w2t_ref, b2_ref,
              o0_ref, o1_ref, o2_ref, o3_ref):
    gt = g_ref[...].T
    w1et = w1et_ref[...]
    w2t = w2t_ref[...]
    b1 = b1_ref[...]
    b2 = b2_ref[...]
    for c, (e_ref, o_ref) in enumerate(
            [(e0_ref, o0_ref), (e1_ref, o1_ref), (e2_ref, o2_ref),
             (e3_ref, o3_ref)]):
        ec = e_ref[...]
        pre = gt[c * HIDDEN_DIM:(c + 1) * HIDDEN_DIM, :] + jnp.dot(
            w1et, ec, preferred_element_type=jnp.float32) + b1
        h = jnp.maximum(pre, 0.0)
        o_ref[...] = ec + jnp.dot(w2t, h,
                                  preferred_element_type=jnp.float32) + b2


def _espec(c):
    return pl.BlockSpec((EDGE_DIM, _GR), lambda i, c=c: (0, i + c * _NBLK))


_mlp_call = pl.pallas_call(
    _mlp_body,
    grid=(_NBLK,),
    in_specs=[
        pl.BlockSpec((_GR, 4 * HIDDEN_DIM), lambda i: (i, 0)),
        _espec(0), _espec(1), _espec(2), _espec(3),
        pl.BlockSpec((HIDDEN_DIM, EDGE_DIM), lambda i: (0, 0)),
        pl.BlockSpec((HIDDEN_DIM, 1), lambda i: (0, 0)),
        pl.BlockSpec((EDGE_DIM, HIDDEN_DIM), lambda i: (0, 0)),
        pl.BlockSpec((EDGE_DIM, 1), lambda i: (0, 0)),
    ],
    out_specs=[pl.BlockSpec((EDGE_DIM, _GR), lambda i: (0, i))] * 4,
    out_shape=[jax.ShapeDtypeStruct((EDGE_DIM, QROWS), jnp.float32)] * 4,
)


def kernel(node_features, edge_features, edge_index, W1, b1, W2, b2):
    src = edge_index[0].astype(jnp.int32)
    dst = edge_index[1].astype(jnp.int32)
    pa, pb = _proj_call(node_features, W1[:NODE_DIM], W1[NODE_DIM:2 * NODE_DIM])
    g = _gather2(pa, pb, src, dst)

    et = edge_features.T
    w1et = W1[2 * NODE_DIM:].T
    w2t = W2.T
    outs = _mlp_call(g, et, et, et, et,
                     w1et, b1.reshape(HIDDEN_DIM, 1),
                     w2t, b2.reshape(EDGE_DIM, 1))
    out_t = jnp.concatenate(outs, axis=1)
    return out_t.T

# --- scband reference (transcript-rebuilt; emitter-appended) ---
"""Pipeline reference for scband-edge-update-layer-15040975470645 (READ-ONLY COPY).

The authoritative reference and input builder live on the scoring server;
editing this copy changes nothing except your own understanding.
"""

import jax, jax.numpy as jnp
import numpy as np

NODE_DIM = 128
EDGE_DIM = 16
HIDDEN_DIM = 32
N_NODES = 10000
N_EDGES = 320000

def setup_inputs(seed: int = 0) -> dict:
    key = jax.random.key(seed)
    k1, k2, k3, k4, k5, k6, k7 = jax.random.split(key, 7)
    node_features = jax.random.normal(k1, (N_NODES, NODE_DIM), dtype=jnp.float32)
    edge_features = jax.random.normal(k2, (N_EDGES, EDGE_DIM), dtype=jnp.float32)
    edge_index = jax.random.randint(k3, (2, N_EDGES), 0, N_NODES, dtype=jnp.int64 if jax.config.jax_enable_x64 else jnp.int32)
    in_dim = NODE_DIM * 2 + EDGE_DIM
    # Kaiming-uniform-ish init like nn.Linear defaults
    lim1 = 1.0 / np.sqrt(in_dim)
    W1 = jax.random.uniform(k4, (in_dim, HIDDEN_DIM), minval=-lim1, maxval=lim1, dtype=jnp.float32)
    b1 = jax.random.uniform(k5, (HIDDEN_DIM,), minval=-lim1, maxval=lim1, dtype=jnp.float32)
    lim2 = 1.0 / np.sqrt(HIDDEN_DIM)
    W2 = jax.random.uniform(k6, (HIDDEN_DIM, EDGE_DIM), minval=-lim2, maxval=lim2, dtype=jnp.float32)
    b2 = jax.random.uniform(k7, (EDGE_DIM,), minval=-lim2, maxval=lim2, dtype=jnp.float32)
    return {"node_features": node_features, "edge_features": edge_features, "edge_index": edge_index, "W1": W1, "b1": b1, "W2": W2, "b2": b2}

def reference(node_features, edge_features, edge_index, W1, b1, W2, b2):
    # h_edge' = h_edge + MLP(concat(h_src, h_dst, h_edge)); dropout is identity in eval mode
    src = edge_index[0]
    dst = edge_index[1]
    h_src = jnp.take(node_features, src, axis=0)
    h_dst = jnp.take(node_features, dst, axis=0)
    combined = jnp.concatenate([h_src, h_dst, edge_features], axis=1)
    h = jnp.maximum(combined @ W1 + b1, 0.0)
    update = h @ W2 + b2
    return edge_features + update

if __name__ == "__main__":
    import jax
    _d = setup_inputs()
    print(jax.jit(kernel)(*tuple(_d.values())))

</pallas_src>

<mosaic_0001>
#map = affine_map<(d0, d1) -> (0, 0)>
#map1 = affine_map<(d0, d1) -> (0)>
module attributes {stable_mosaic.version = 14 : i64} {
  func.func @_gather2(%arg0: i32, %arg1: i32, %arg2: memref<10000x32xf32, #tpu.memory_space<hbm>>, %arg3: memref<10000x32xf32, #tpu.memory_space<hbm>>, %arg4: memref<320000xi32, #tpu.memory_space<hbm>>, %arg5: memref<320000xi32, #tpu.memory_space<hbm>>, %arg6: memref<80000x128xf32, #tpu.memory_space<hbm>>, %arg7: memref<10112xi32, #tpu.memory_space<vmem>>, %arg8: memref<10112xi32, #tpu.memory_space<vmem>>, %arg9: memref<8x128x32xf32, #tpu.memory_space<vmem>>, %arg10: memref<!tpu.dma_semaphore, #tpu.memory_space<semaphore_mem>>, %arg11: memref<!tpu.dma_semaphore, #tpu.memory_space<semaphore_mem>>, %arg12: memref<!tpu.dma_semaphore, #tpu.memory_space<semaphore_mem>>, %arg13: memref<!tpu.dma_semaphore, #tpu.memory_space<semaphore_mem>>, %arg14: memref<!tpu.dma_semaphore, #tpu.memory_space<semaphore_mem>>, %arg15: memref<!tpu.dma_semaphore, #tpu.memory_space<semaphore_mem>>, %arg16: memref<!tpu.dma_semaphore, #tpu.memory_space<semaphore_mem>>, %arg17: memref<!tpu.dma_semaphore, #tpu.memory_space<semaphore_mem>>, %arg18: memref<!tpu.dma_semaphore, #tpu.memory_space<semaphore_mem>>, %arg19: memref<!tpu.dma_semaphore, #tpu.memory_space<semaphore_mem>>, %arg20: memref<!tpu.dma_semaphore, #tpu.memory_space<semaphore_mem>>, %arg21: memref<!tpu.dma_semaphore, #tpu.memory_space<semaphore_mem>>, %arg22: memref<!tpu.dma_semaphore, #tpu.memory_space<semaphore_mem>>, %arg23: memref<!tpu.dma_semaphore, #tpu.memory_space<semaphore_mem>>, %arg24: memref<!tpu.dma_semaphore, #tpu.memory_space<semaphore_mem>>, %arg25: memref<!tpu.dma_semaphore, #tpu.memory_space<semaphore_mem>>, %arg26: memref<!tpu.dma_semaphore, #tpu.memory_space<semaphore_mem>>, %arg27: memref<!tpu.dma_semaphore, #tpu.memory_space<semaphore_mem>>, %arg28: memref<!tpu.dma_semaphore, #tpu.memory_space<semaphore_mem>>, %arg29: memref<!tpu.dma_semaphore, #tpu.memory_space<semaphore_mem>>, %arg30: memref<!tpu.dma_semaphore, #tpu.memory_space<semaphore_mem>>, %arg31: memref<!tpu.dma_semaphore, #tpu.memory_space<semaphore_mem>>, %arg32: memref<!tpu.dma_semaphore, #tpu.memory_space<semaphore_mem>>, %arg33: memref<!tpu.dma_semaphore, #tpu.memory_space<semaphore_mem>>) attributes {dimension_semantics = [#tpu.dimension_semantics<core_parallel>, #tpu.dimension_semantics<subcore_parallel>], iteration_bounds = array<i64: 2, 16>, scalar_prefetch = 0 : i64, scratch_operands = 27 : i64, tpu.core_type = #tpu.core_type<sc_vector_subcore>, window_params = [{transform_indices = #map}, {transform_indices = #map}, {transform_indices = #map1}, {transform_indices = #map1}, {transform_indices = #map}]} {
    %mul3A = arith.constant 2 : i32
    %mul3A_0 = arith.muli %arg1, %mul3A : i32
    %add3A = arith.addi %mul3A_0, %arg0 : i32
    %mul3A_1 = arith.constant 2500 : i32
    %mul3A_2 = arith.muli %add3A, %mul3A_1 : i32
    %jit3A = arith.constant 32 : i32
    %div3A = arith.divsi %mul3A_2, %jit3A : i32
    %sign3A = arith.constant 0 : i32
    %sign3A_3 = arith.cmpi sgt, %mul3A_2, %sign3A : i32
    %sign3A_4 = arith.extui %sign3A_3 : i1 to i32
    %sign3A_5 = arith.constant 0 : i32
    %sign3A_6 = arith.cmpi slt, %mul3A_2, %sign3A_5 : i32
    %sign3A_7 = arith.extui %sign3A_6 : i1 to i32
    %sign3A_8 = arith.subi %sign3A_4, %sign3A_7 : i32
    %sign3A_9 = arith.constant 0 : i32
    %sign3A_10 = arith.cmpi sgt, %jit3A, %sign3A_9 : i32
    %sign3A_11 = arith.extui %sign3A_10 : i1 to i32
    %sign3A_12 = arith.constant 0 : i32
    %sign3A_13 = arith.cmpi slt, %jit3A, %sign3A_12 : i32
    %sign3A_14 = arith.extui %sign3A_13 : i1 to i32
    %sign3A_15 = arith.subi %sign3A_11, %sign3A_14 : i32
    %ne3A = arith.cmpi ne, %sign3A_8, %sign3A_15 : i32
    %rem3A = arith.remsi %mul3A_2, %jit3A : i32
    %ne3A_16 = arith.constant 0 : i32
    %ne3A_17 = arith.cmpi ne, %rem3A, %ne3A_16 : i32
    %and3A = arith.andi %ne3A, %ne3A_17 : i1
    %sub3A = arith.constant 1 : i32
    %sub3A_18 = arith.subi %div3A, %sub3A : i32
    %select_n3A = arith.select %and3A, %sub3A_18, %div3A : i32
    %add3A_19 = arith.constant 1 : i32
    %add3A_20 = arith.addi %add3A, %add3A_19 : i32
    %mul3A_21 = arith.constant 2500 : i32
    %mul3A_22 = arith.muli %add3A_20, %mul3A_21 : i32
    %jit3A_23 = arith.constant 32 : i32
    %div3A_24 = arith.divsi %mul3A_22, %jit3A_23 : i32
    %sign3A_25 = arith.constant 0 : i32
    %sign3A_26 = arith.cmpi sgt, %mul3A_22, %sign3A_25 : i32
    %sign3A_27 = arith.extui %sign3A_26 : i1 to i32
    %sign3A_28 = arith.constant 0 : i32
    %sign3A_29 = arith.cmpi slt, %mul3A_22, %sign3A_28 : i32
    %sign3A_30 = arith.extui %sign3A_29 : i1 to i32
    %sign3A_31 = arith.subi %sign3A_27, %sign3A_30 : i32
    %sign3A_32 = arith.constant 0 : i32
    %sign3A_33 = arith.cmpi sgt, %jit3A_23, %sign3A_32 : i32
    %sign3A_34 = arith.extui %sign3A_33 : i1 to i32
    %sign3A_35 = arith.constant 0 : i32
    %sign3A_36 = arith.cmpi slt, %jit3A_23, %sign3A_35 : i32
    %sign3A_37 = arith.extui %sign3A_36 : i1 to i32
    %sign3A_38 = arith.subi %sign3A_34, %sign3A_37 : i32
    %ne3A_39 = arith.cmpi ne, %sign3A_31, %sign3A_38 : i32
    %rem3A_40 = arith.remsi %mul3A_22, %jit3A_23 : i32
    %ne3A_41 = arith.constant 0 : i32
    %ne3A_42 = arith.cmpi ne, %rem3A_40, %ne3A_41 : i32
    %and3A_43 = arith.andi %ne3A_39, %ne3A_42 : i1
    %sub3A_44 = arith.constant 1 : i32
    %sub3A_45 = arith.subi %div3A_24, %sub3A_44 : i32
    %select_n3A_46 = arith.select %and3A_43, %sub3A_45, %div3A_24 : i32
    %sub3A_47 = arith.subi %select_n3A_46, %select_n3A : i32
    %jit3A_48 = arith.constant 8 : i32
    %div3A_49 = arith.divsi %add3A, %jit3A_48 : i32
    %sign3A_50 = arith.constant 0 : i32
    %sign3A_51 = arith.cmpi sgt, %add3A, %sign3A_50 : i32
    %sign3A_52 = arith.extui %sign3A_51 : i1 to i32
    %sign3A_53 = arith.constant 0 : i32
    %sign3A_54 = arith.cmpi slt, %add3A, %sign3A_53 : i32
    %sign3A_55 = arith.extui %sign3A_54 : i1 to i32
    %sign3A_56 = arith.subi %sign3A_52, %sign3A_55 : i32
    %sign3A_57 = arith.constant 0 : i32
    %sign3A_58 = arith.cmpi sgt, %jit3A_48, %sign3A_57 : i32
    %sign3A_59 = arith.extui %sign3A_58 : i1 to i32
    %sign3A_60 = arith.constant 0 : i32
    %sign3A_61 = arith.cmpi slt, %jit3A_48, %sign3A_60 : i32
    %sign3A_62 = arith.extui %sign3A_61 : i1 to i32
    %sign3A_63 = arith.subi %sign3A_59, %sign3A_62 : i32
    %ne3A_64 = arith.cmpi ne, %sign3A_56, %sign3A_63 : i32
    %rem3A_65 = arith.remsi %add3A, %jit3A_48 : i32
    %ne3A_66 = arith.constant 0 : i32
    %ne3A_67 = arith.cmpi ne, %rem3A_65, %ne3A_66 : i32
    %and3A_68 = arith.andi %ne3A_64, %ne3A_67 : i1
    %sub3A_69 = arith.constant 1 : i32
    %sub3A_70 = arith.subi %div3A_49, %sub3A_69 : i32
    %select_n3A_71 = arith.select %and3A_68, %sub3A_70, %div3A_49 : i32
    %mul3A_72 = arith.constant 625 : i32
    %mul3A_73 = arith.muli %select_n3A_71, %mul3A_72 : i32
    %sub3A_74 = arith.subi %select_n3A, %mul3A_73 : i32
    %mul3A_75 = arith.constant 128 : i32
    %mul3A_76 = arith.muli %sub3A_74, %mul3A_75 : i32
    %mul3A_77 = arith.constant 128 : i32
    %mul3A_78 = arith.muli %select_n3A, %mul3A_77 : i32
    "tpu.region"() ({
      %run_scoped3A = tpu.sem_alloc : memref<!tpu.dma_semaphore, #tpu.memory_space<semaphore_mem>>
      %dma_start3A_284 = tpu.memref_slice %arg4[%mul3A_78] : memref<320000xi32, #tpu.memory_space<hbm>> -> memref<10112xi32, #tpu.memory_space<hbm>>
      %dma_start3A_285 = tpu.memref_slice %arg4[%mul3A_78] : memref<320000xi32, #tpu.memory_space<hbm>> -> memref<10112xi32, #tpu.memory_space<hbm>>
      tpu.enqueue_dma source(%dma_start3A_285 : memref<10112xi32, #tpu.memory_space<hbm>>) target(%arg7 : memref<10112xi32, #tpu.memory_space<vmem>>) target_semaphore(%run_scoped3A : memref<!tpu.dma_semaphore, #tpu.memory_space<semaphore_mem>>)
      %dma_wait3A_286 = tpu.memref_slice %arg4[%mul3A_78] : memref<320000xi32, #tpu.memory_space<hbm>> -> memref<10112xi32, #tpu.memory_space<hbm>>
      %dma_wait3A_287 = tpu.memref_slice %arg4[%mul3A_78] : memref<320000xi32, #tpu.memory_space<hbm>> -> memref<10112xi32, #tpu.memory_space<hbm>>
      tpu.wait_dma2 semaphore(%run_scoped3A : memref<!tpu.dma_semaphore, #tpu.memory_space<semaphore_mem>>) src(%dma_wait3A_287 : memref<10112xi32, #tpu.memory_space<hbm>>) dst(%arg7 : memref<10112xi32, #tpu.memory_space<vmem>>)
      tpu.yield
    }) : () -> ()
    %mul3A_79 = arith.constant 128 : i32
    %mul3A_80 = arith.muli %select_n3A, %mul3A_79 : i32
    "tpu.region"() ({
      %run_scoped3A = tpu.sem_alloc : memref<!tpu.dma_semaphore, #tpu.memory_space<semaphore_mem>>
      %dma_start3A_284 = tpu.memref_slice %arg5[%mul3A_80] : memref<320000xi32, #tpu.memory_space<hbm>> -> memref<10112xi32, #tpu.memory_space<hbm>>
      %dma_start3A_285 = tpu.memref_slice %arg5[%mul3A_80] : memref<320000xi32, #tpu.memory_space<hbm>> -> memref<10112xi32, #tpu.memory_space<hbm>>
      tpu.enqueue_dma source(%dma_start3A_285 : memref<10112xi32, #tpu.memory_space<hbm>>) target(%arg8 : memref<10112xi32, #tpu.memory_space<vmem>>) target_semaphore(%run_scoped3A : memref<!tpu.dma_semaphore, #tpu.memory_space<semaphore_mem>>)
      %dma_wait3A_286 = tpu.memref_slice %arg5[%mul3A_80] : memref<320000xi32, #tpu.memory_space<hbm>> -> memref<10112xi32, #tpu.memory_space<hbm>>
      %dma_wait3A_287 = tpu.memref_slice %arg5[%mul3A_80] : memref<320000xi32, #tpu.memory_space<hbm>> -> memref<10112xi32, #tpu.memory_space<hbm>>
      tpu.wait_dma2 semaphore(%run_scoped3A : memref<!tpu.dma_semaphore, #tpu.memory_space<semaphore_mem>>) src(%dma_wait3A_287 : memref<10112xi32, #tpu.memory_space<hbm>>) dst(%arg8 : memref<10112xi32, #tpu.memory_space<vmem>>)
      tpu.yield
    }) : () -> ()
    %dma_start3A = arith.constant 0 : i32
    %dma_start3A_81 = arith.constant 0 : i32
    %dma_start3A_82 = arith.constant 0 : i32
    %dma_start3A_83 = tpu.memref_slice %arg9[%dma_start3A, %dma_start3A_81, %dma_start3A_82] : memref<8x128x32xf32, #tpu.memory_space<vmem>> -> memref<1x128x32xf32, #tpu.memory_space<vmem>>
    %dma_start3A_84 = tpu.memref_squeeze %dma_start3A_83 : memref<1x128x32xf32, #tpu.memory_space<vmem>> -> memref<128x32xf32, #tpu.memory_space<vmem>>
    %dma_start3A_85 = arith.constant 0 : i32
    %dma_start3A_86 = tpu.memref_slice %arg7[%dma_start3A_85] : memref<10112xi32, #tpu.memory_space<vmem>> -> memref<128xi32, #tpu.memory_space<vmem>>
    %dma_start3A_87 = arith.constant 0 : i32
    %dma_start3A_88 = arith.constant 0 : i32
    %dma_start3A_89 = tpu.memref_slice %arg2[%dma_start3A_87, %dma_start3A_88] : memref<10000x32xf32, #tpu.memory_space<hbm>> -> memref<10000x32xf32, #tpu.memory_space<hbm>>
    tpu.enqueue_indirect_dma source(%dma_start3A_89 : memref<10000x32xf32, #tpu.memory_space<hbm>>) target(%dma_start3A_84 : memref<128x32xf32, #tpu.memory_space<vmem>>) offsets(%dma_start3A_86 : memref<128xi32, #tpu.memory_space<vmem>>) semaphore(%arg10 : memref<!tpu.dma_semaphore, #tpu.memory_space<semaphore_mem>>)
    %dma_start3A_90 = arith.constant 1 : i32
    %dma_start3A_91 = arith.constant 0 : i32
    %dma_start3A_92 = arith.constant 0 : i32
    %dma_start3A_93 = tpu.memref_slice %arg9[%dma_start3A_90, %dma_start3A_91, %dma_start3A_92] : memref<8x128x32xf32, #tpu.memory_space<vmem>> -> memref<1x128x32xf32, #tpu.memory_space<vmem>>
    %dma_start3A_94 = tpu.memref_squeeze %dma_start3A_93 : memref<1x128x32xf32, #tpu.memory_space<vmem>> -> memref<128x32xf32, #tpu.memory_space<vmem>>
    %dma_start3A_95 = arith.constant 128 : i32
    %dma_start3A_96 = tpu.memref_slice %arg7[%dma_start3A_95] : memref<10112xi32, #tpu.memory_space<vmem>> -> memref<128xi32, #tpu.memory_space<vmem>>
    %dma_start3A_97 = arith.constant 0 : i32
    %dma_start3A_98 = arith.constant 0 : i32
    %dma_start3A_99 = tpu.memref_slice %arg2[%dma_start3A_97, %dma_start3A_98] : memref<10000x32xf32, #tpu.memory_space<hbm>> -> memref<10000x32xf32, #tpu.memory_space<hbm>>
    tpu.enqueue_indirect_dma source(%dma_start3A_99 : memref<10000x32xf32, #tpu.memory_space<hbm>>) target(%dma_start3A_94 : memref<128x32xf32, #tpu.memory_space<vmem>>) offsets(%dma_start3A_96 : memref<128xi32, #tpu.memory_space<vmem>>) semaphore(%arg11 : memref<!tpu.dma_semaphore, #tpu.memory_space<semaphore_mem>>)
    %dma_start3A_100 = arith.constant 2 : i32
    %dma_start3A_101 = arith.constant 0 : i32
    %dma_start3A_102 = arith.constant 0 : i32
    %dma_start3A_103 = tpu.memref_slice %arg9[%dma_start3A_100, %dma_start3A_101, %dma_start3A_102] : memref<8x128x32xf32, #tpu.memory_space<vmem>> -> memref<1x128x32xf32, #tpu.memory_space<vmem>>
    %dma_start3A_104 = tpu.memref_squeeze %dma_start3A_103 : memref<1x128x32xf32, #tpu.memory_space<vmem>> -> memref<128x32xf32, #tpu.memory_space<vmem>>
    %dma_start3A_105 = arith.constant 256 : i32
    %dma_start3A_106 = tpu.memref_slice %arg7[%dma_start3A_105] : memref<10112xi32, #tpu.memory_space<vmem>> -> memref<128xi32, #tpu.memory_space<vmem>>
    %dma_start3A_107 = arith.constant 0 : i32
    %dma_start3A_108 = arith.constant 0 : i32
    %dma_start3A_109 = tpu.memref_slice %arg2[%dma_start3A_107, %dma_start3A_108] : memref<10000x32xf32, #tpu.memory_space<hbm>> -> memref<10000x32xf32, #tpu.memory_space<hbm>>
    tpu.enqueue_indirect_dma source(%dma_start3A_109 : memref<10000x32xf32, #tpu.memory_space<hbm>>) target(%dma_start3A_104 : memref<128x32xf32, #tpu.memory_space<vmem>>) offsets(%dma_start3A_106 : memref<128xi32, #tpu.memory_space<vmem>>) semaphore(%arg12 : memref<!tpu.dma_semaphore, #tpu.memory_space<semaphore_mem>>)
    %dma_start3A_110 = arith.constant 3 : i32
    %dma_start3A_111 = arith.constant 0 : i32
    %dma_start3A_112 = arith.constant 0 : i32
    %dma_start3A_113 = tpu.memref_slice %arg9[%dma_start3A_110, %dma_start3A_111, %dma_start3A_112] : memref<8x128x32xf32, #tpu.memory_space<vmem>> -> memref<1x128x32xf32, #tpu.memory_space<vmem>>
    %dma_start3A_114 = tpu.memref_squeeze %dma_start3A_113 : memref<1x128x32xf32, #tpu.memory_space<vmem>> -> memref<128x32xf32, #tpu.memory_space<vmem>>
    %dma_start3A_115 = arith.constant 384 : i32
    %dma_start3A_116 = tpu.memref_slice %arg7[%dma_start3A_115] : memref<10112xi32, #tpu.memory_space<vmem>> -> memref<128xi32, #tpu.memory_space<vmem>>
    %dma_start3A_117 = arith.constant 0 : i32
    %dma_start3A_118 = arith.constant 0 : i32
    %dma_start3A_119 = tpu.memref_slice %arg2[%dma_start3A_117, %dma_start3A_118] : memref<10000x32xf32, #tpu.memory_space<hbm>> -> memref<10000x32xf32, #tpu.memory_space<hbm>>
    tpu.enqueue_indirect_dma source(%dma_start3A_119 : memref<10000x32xf32, #tpu.memory_space<hbm>>) target(%dma_start3A_114 : memref<128x32xf32, #tpu.memory_space<vmem>>) offsets(%dma_start3A_116 : memref<128xi32, #tpu.memory_space<vmem>>) semaphore(%arg13 : memref<!tpu.dma_semaphore, #tpu.memory_space<semaphore_mem>>)
    %dma_wait3A = arith.constant 0 : i32
    %dma_wait3A_120 = arith.constant 0 : i32
    %dma_wait3A_121 = arith.constant 0 : i32
    %dma_wait3A_122 = tpu.memref_slice %arg9[%dma_wait3A, %dma_wait3A_120, %dma_wait3A_121] : memref<8x128x32xf32, #tpu.memory_space<vmem>> -> memref<1x128x32xf32, #tpu.memory_space<vmem>>
    %dma_wait3A_123 = tpu.memref_squeeze %dma_wait3A_122 : memref<1x128x32xf32, #tpu.memory_space<vmem>> -> memref<128x32xf32, #tpu.memory_space<vmem>>
    %dma_wait3A_124 = arith.constant 0 : i32
    %dma_wait3A_125 = tpu.memref_slice %arg7[%dma_wait3A_124] : memref<10112xi32, #tpu.memory_space<vmem>> -> memref<128xi32, #tpu.memory_space<vmem>>
    %dma_wait3A_126 = arith.constant 0 : i32
    %dma_wait3A_127 = arith.constant 0 : i32
    %dma_wait3A_128 = tpu.memref_slice %arg2[%dma_wait3A_126, %dma_wait3A_127] : memref<10000x32xf32, #tpu.memory_space<hbm>> -> memref<10000x32xf32, #tpu.memory_space<hbm>>
    tpu.wait_indirect_dma semaphore(%arg10 : memref<!tpu.dma_semaphore, #tpu.memory_space<semaphore_mem>>) src(%dma_wait3A_128 : memref<10000x32xf32, #tpu.memory_space<hbm>>) dst(%dma_wait3A_123 : memref<128x32xf32, #tpu.memory_space<vmem>>)
    %dma_start3A_129 = arith.constant 0 : i32
    %dma_start3A_130 = arith.constant 0 : i32
    %dma_start3A_131 = arith.constant 0 : i32
    %dma_start3A_132 = tpu.memref_slice %arg9[%dma_start3A_129, %dma_start3A_130, %dma_start3A_131] : memref<8x128x32xf32, #tpu.memory_space<vmem>> -> memref<1x128x32xf32, #tpu.memory_space<vmem>>
    %dma_start3A_133 = tpu.memref_squeeze %dma_start3A_132 : memref<1x128x32xf32, #tpu.memory_space<vmem>> -> memref<128x32xf32, #tpu.memory_space<vmem>>
    %dma_start3A_134 = arith.constant 0 : i32
    %dma_start3A_135 = tpu.memref_slice %arg8[%dma_start3A_134] : memref<10112xi32, #tpu.memory_space<vmem>> -> memref<128xi32, #tpu.memory_space<vmem>>
    %dma_start3A_136 = arith.constant 0 : i32
    %dma_start3A_137 = arith.constant 0 : i32
    %dma_start3A_138 = tpu.memref_slice %arg3[%dma_start3A_136, %dma_start3A_137] : memref<10000x32xf32, #tpu.memory_space<hbm>> -> memref<10000x32xf32, #tpu.memory_space<hbm>>
    tpu.enqueue_indirect_dma source(%dma_start3A_138 : memref<10000x32xf32, #tpu.memory_space<hbm>>) target(%dma_start3A_133 : memref<128x32xf32, #tpu.memory_space<vmem>>) offsets(%dma_start3A_135 : memref<128xi32, #tpu.memory_space<vmem>>) semaphore(%arg18 : memref<!tpu.dma_semaphore, #tpu.memory_space<semaphore_mem>>) {add = true}
    %dma_wait3A_139 = arith.constant 1 : i32
    %dma_wait3A_140 = arith.constant 0 : i32
    %dma_wait3A_141 = arith.constant 0 : i32
    %dma_wait3A_142 = tpu.memref_slice %arg9[%dma_wait3A_139, %dma_wait3A_140, %dma_wait3A_141] : memref<8x128x32xf32, #tpu.memory_space<vmem>> -> memref<1x128x32xf32, #tpu.memory_space<vmem>>
    %dma_wait3A_143 = tpu.memref_squeeze %dma_wait3A_142 : memref<1x128x32xf32, #tpu.memory_space<vmem>> -> memref<128x32xf32, #tpu.memory_space<vmem>>
    %dma_wait3A_144 = arith.constant 128 : i32
    %dma_wait3A_145 = tpu.memref_slice %arg7[%dma_wait3A_144] : memref<10112xi32, #tpu.memory_space<vmem>> -> memref<128xi32, #tpu.memory_space<vmem>>
    %dma_wait3A_146 = arith.constant 0 : i32
    %dma_wait3A_147 = arith.constant 0 : i32
    %dma_wait3A_148 = tpu.memref_slice %arg2[%dma_wait3A_146, %dma_wait3A_147] : memref<10000x32xf32, #tpu.memory_space<hbm>> -> memref<10000x32xf32, #tpu.memory_space<hbm>>
    tpu.wait_indirect_dma semaphore(%arg11 : memref<!tpu.dma_semaphore, #tpu.memory_space<semaphore_mem>>) src(%dma_wait3A_148 : memref<10000x32xf32, #tpu.memory_space<hbm>>) dst(%dma_wait3A_143 : memref<128x32xf32, #tpu.memory_space<vmem>>)
    %dma_start3A_149 = arith.constant 1 : i32
    %dma_start3A_150 = arith.constant 0 : i32
    %dma_start3A_151 = arith.constant 0 : i32
    %dma_start3A_152 = tpu.memref_slice %arg9[%dma_start3A_149, %dma_start3A_150, %dma_start3A_151] : memref<8x128x32xf32, #tpu.memory_space<vmem>> -> memref<1x128x32xf32, #tpu.memory_space<vmem>>
    %dma_start3A_153 = tpu.memref_squeeze %dma_start3A_152 : memref<1x128x32xf32, #tpu.memory_space<vmem>> -> memref<128x32xf32, #tpu.memory_space<vmem>>
    %dma_start3A_154 = arith.constant 128 : i32
    %dma_start3A_155 = tpu.memref_slice %arg8[%dma_start3A_154] : memref<10112xi32, #tpu.memory_space<vmem>> -> memref<128xi32, #tpu.memory_space<vmem>>
    %dma_start3A_156 = arith.constant 0 : i32
    %dma_start3A_157 = arith.constant 0 : i32
    %dma_start3A_158 = tpu.memref_slice %arg3[%dma_start3A_156, %dma_start3A_157] : memref<10000x32xf32, #tpu.memory_space<hbm>> -> memref<10000x32xf32, #tpu.memory_space<hbm>>
    tpu.enqueue_indirect_dma source(%dma_start3A_158 : memref<10000x32xf32, #tpu.memory_space<hbm>>) target(%dma_start3A_153 : memref<128x32xf32, #tpu.memory_space<vmem>>) offsets(%dma_start3A_155 : memref<128xi32, #tpu.memory_space<vmem>>) semaphore(%arg19 : memref<!tpu.dma_semaphore, #tpu.memory_space<semaphore_mem>>) {add = true}
    %scan3A = arith.constant 0 : i32
    %scan3A_159 = arith.constant 0 : i32
    %scan3A_160 = arith.constant 10 : i32
    %scan3A_161 = arith.addi %scan3A_159, %scan3A_160 : i32
    %scan3A_162 = arith.constant 1 : i32
    scf.for %scan3A_284 = %scan3A_159 to %scan3A_161 step %scan3A_162  : i32 {
      %mul3A_285 = arith.constant 8 : i32
      %mul3A_286 = arith.muli %scan3A_284, %mul3A_285 : i32
      %add3A_287 = arith.constant 0 : i32
      %add3A_288 = arith.addi %mul3A_286, %add3A_287 : i32
      %lt3A = arith.cmpi slt, %add3A_288, %sub3A_47 : i32
      %convert_element_type3A = arith.extui %lt3A : i1 to i32
      %cond3A = arith.constant 0 : i32
      %cond3A_289 = arith.cmpi ne, %convert_element_type3A, %cond3A : i32
      scf.if %cond3A_289 {
        %mul3A_442 = arith.constant 128 : i32
        %mul3A_443 = arith.muli %add3A_288, %mul3A_442 : i32
        %dma_wait3A_444 = arith.constant 0 : i32
        %dma_wait3A_445 = arith.constant 0 : i32
        %dma_wait3A_446 = arith.constant 0 : i32
        %dma_wait3A_447 = tpu.memref_slice %arg9[%dma_wait3A_444, %dma_wait3A_445, %dma_wait3A_446] : memref<8x128x32xf32, #tpu.memory_space<vmem>> -> memref<1x128x32xf32, #tpu.memory_space<vmem>>
        %dma_wait3A_448 = tpu.memref_squeeze %dma_wait3A_447 : memref<1x128x32xf32, #tpu.memory_space<vmem>> -> memref<128x32xf32, #tpu.memory_space<vmem>>
        %dma_wait3A_449 = tpu.memref_slice %arg8[%mul3A_443] : memref<10112xi32, #tpu.memory_space<vmem>> -> memref<128xi32, #tpu.memory_space<vmem>>
        %dma_wait3A_450 = arith.constant 0 : i32
        %dma_wait3A_451 = arith.constant 0 : i32
        %dma_wait3A_452 = tpu.memref_slice %arg3[%dma_wait3A_450, %dma_wait3A_451] : memref<10000x32xf32, #tpu.memory_space<hbm>> -> memref<10000x32xf32, #tpu.memory_space<hbm>>
        tpu.wait_indirect_dma semaphore(%arg18 : memref<!tpu.dma_semaphore, #tpu.memory_space<semaphore_mem>>) src(%dma_wait3A_452 : memref<10000x32xf32, #tpu.memory_space<hbm>>) dst(%dma_wait3A_448 : memref<128x32xf32, #tpu.memory_space<vmem>>)
        %mul3A_453 = arith.constant 128 : i32
        %mul3A_454 = arith.muli %add3A_288, %mul3A_453 : i32
        %add3A_455 = arith.addi %mul3A_76, %mul3A_454 : i32
        %mul3A_456 = arith.constant 32 : i32
        %mul3A_457 = arith.muli %select_n3A_71, %mul3A_456 : i32
        %dma_start3A_458 = arith.constant 0 : i32
        %dma_start3A_459 = arith.constant 0 : i32
        %dma_start3A_460 = arith.constant 0 : i32
        %dma_start3A_461 = tpu.memref_slice %arg9[%dma_start3A_458, %dma_start3A_459, %dma_start3A_460] : memref<8x128x32xf32, #tpu.memory_space<vmem>> -> memref<1x128x32xf32, #tpu.memory_space<vmem>>
        %dma_start3A_462 = tpu.memref_squeeze %dma_start3A_461 : memref<1x128x32xf32, #tpu.memory_space<vmem>> -> memref<128x32xf32, #tpu.memory_space<vmem>>
        %dma_start3A_463 = tpu.memref_slice %arg6[%add3A_455, %mul3A_457] : memref<80000x128xf32, #tpu.memory_space<hbm>> -> memref<128x32xf32, #tpu.memory_space<hbm>>
        %dma_start3A_464 = tpu.memref_slice %arg6[%add3A_455, %mul3A_457] : memref<80000x128xf32, #tpu.memory_space<hbm>> -> memref<128x32xf32, #tpu.memory_space<hbm>>
        %dma_start3A_465 = arith.constant 0 : i32
        %dma_start3A_466 = arith.constant 0 : i32
        %dma_start3A_467 = tpu.memref_slice %arg9[%dma_start3A_458, %dma_start3A_465, %dma_start3A_466] : memref<8x128x32xf32, #tpu.memory_space<vmem>> -> memref<1x128x32xf32, #tpu.memory_space<vmem>>
        %dma_start3A_468 = tpu.memref_squeeze %dma_start3A_467 : memref<1x128x32xf32, #tpu.memory_space<vmem>> -> memref<128x32xf32, #tpu.memory_space<vmem>>
        tpu.enqueue_dma source(%dma_start3A_468 : memref<128x32xf32, #tpu.memory_space<vmem>>) target(%dma_start3A_464 : memref<128x32xf32, #tpu.memory_space<hbm>>) target_semaphore(%arg26 : memref<!tpu.dma_semaphore, #tpu.memory_space<semaphore_mem>>)
      } else {
      }
      %add3A_290 = arith.constant 2 : i32
      %add3A_291 = arith.addi %add3A_288, %add3A_290 : i32
      %lt3A_292 = arith.cmpi slt, %add3A_291, %sub3A_47 : i32
      %convert_element_type3A_293 = arith.extui %lt3A_292 : i1 to i32
      %cond3A_294 = arith.constant 0 : i32
      %cond3A_295 = arith.cmpi ne, %convert_element_type3A_293, %cond3A_294 : i32
      scf.if %cond3A_295 {
        %add3A_442 = arith.constant 2 : i32
        %add3A_443 = arith.addi %add3A_288, %add3A_442 : i32
        %mul3A_444 = arith.constant 128 : i32
        %mul3A_445 = arith.muli %add3A_443, %mul3A_444 : i32
        %dma_wait3A_446 = arith.constant 2 : i32
        %dma_wait3A_447 = arith.constant 0 : i32
        %dma_wait3A_448 = arith.constant 0 : i32
        %dma_wait3A_449 = tpu.memref_slice %arg9[%dma_wait3A_446, %dma_wait3A_447, %dma_wait3A_448] : memref<8x128x32xf32, #tpu.memory_space<vmem>> -> memref<1x128x32xf32, #tpu.memory_space<vmem>>
        %dma_wait3A_450 = tpu.memref_squeeze %dma_wait3A_449 : memref<1x128x32xf32, #tpu.memory_space<vmem>> -> memref<128x32xf32, #tpu.memory_space<vmem>>
        %dma_wait3A_451 = tpu.memref_slice %arg7[%mul3A_445] : memref<10112xi32, #tpu.memory_space<vmem>> -> memref<128xi32, #tpu.memory_space<vmem>>
        %dma_wait3A_452 = arith.constant 0 : i32
        %dma_wait3A_453 = arith.constant 0 : i32
        %dma_wait3A_454 = tpu.memref_slice %arg2[%dma_wait3A_452, %dma_wait3A_453] : memref<10000x32xf32, #tpu.memory_space<hbm>> -> memref<10000x32xf32, #tpu.memory_space<hbm>>
        tpu.wait_indirect_dma semaphore(%arg12 : memref<!tpu.dma_semaphore, #tpu.memory_space<semaphore_mem>>) src(%dma_wait3A_454 : memref<10000x32xf32, #tpu.memory_space<hbm>>) dst(%dma_wait3A_450 : memref<128x32xf32, #tpu.memory_space<vmem>>)
        %add3A_455 = arith.constant 2 : i32
        %add3A_456 = arith.addi %add3A_288, %add3A_455 : i32
        %mul3A_457 = arith.constant 128 : i32
        %mul3A_458 = arith.muli %add3A_456, %mul3A_457 : i32
        %dma_start3A_459 = arith.constant 2 : i32
        %dma_start3A_460 = arith.constant 0 : i32
        %dma_start3A_461 = arith.constant 0 : i32
        %dma_start3A_462 = tpu.memref_slice %arg9[%dma_start3A_459, %dma_start3A_460, %dma_start3A_461] : memref<8x128x32xf32, #tpu.memory_space<vmem>> -> memref<1x128x32xf32, #tpu.memory_space<vmem>>
        %dma_start3A_463 = tpu.memref_squeeze %dma_start3A_462 : memref<1x128x32xf32, #tpu.memory_space<vmem>> -> memref<128x32xf32, #tpu.memory_space<vmem>>
        %dma_start3A_464 = tpu.memref_slice %arg8[%mul3A_458] : memref<10112xi32, #tpu.memory_space<vmem>> -> memref<128xi32, #tpu.memory_space<vmem>>
        %dma_start3A_465 = arith.constant 0 : i32
        %dma_start3A_466 = arith.constant 0 : i32
        %dma_start3A_467 = tpu.memref_slice %arg3[%dma_start3A_465, %dma_start3A_466] : memref<10000x32xf32, #tpu.memory_space<hbm>> -> memref<10000x32xf32, #tpu.memory_space<hbm>>
        tpu.enqueue_indirect_dma source(%dma_start3A_467 : memref<10000x32xf32, #tpu.memory_space<hbm>>) target(%dma_start3A_463 : memref<128x32xf32, #tpu.memory_space<vmem>>) offsets(%dma_start3A_464 : memref<128xi32, #tpu.memory_space<vmem>>) semaphore(%arg20 : memref<!tpu.dma_semaphore, #tpu.memory_space<semaphore_mem>>) {add = true}
      } else {
      }
      %add3A_296 = arith.constant 4 : i32
      %add3A_297 = arith.addi %add3A_288, %add3A_296 : i32
      %lt3A_298 = arith.cmpi slt, %add3A_297, %sub3A_47 : i32
      %convert_element_type3A_299 = arith.extui %lt3A_298 : i1 to i32
      %cond3A_300 = arith.constant 0 : i32
      %cond3A_301 = arith.cmpi ne, %convert_element_type3A_299, %cond3A_300 : i32
      scf.if %cond3A_301 {
        %ge3A = arith.constant 4 : i32
        %ge3A_442 = arith.cmpi sge, %add3A_288, %ge3A : i32
        %convert_element_type3A_443 = arith.extui %ge3A_442 : i1 to i32
        %cond3A_444 = arith.constant 0 : i32
        %cond3A_445 = arith.cmpi ne, %convert_element_type3A_443, %cond3A_444 : i32
        scf.if %cond3A_445 {
          %sub3A_459 = arith.constant 4 : i32
          %sub3A_460 = arith.subi %add3A_288, %sub3A_459 : i32
          %mul3A_461 = arith.constant 128 : i32
          %mul3A_462 = arith.muli %sub3A_460, %mul3A_461 : i32
          %add3A_463 = arith.addi %mul3A_76, %mul3A_462 : i32
          %mul3A_464 = arith.constant 32 : i32
          %mul3A_465 = arith.muli %select_n3A_71, %mul3A_464 : i32
          %dma_wait3A_466 = arith.constant 4 : i32
          %dma_wait3A_467 = arith.constant 0 : i32
          %dma_wait3A_468 = arith.constant 0 : i32
          %dma_wait3A_469 = tpu.memref_slice %arg9[%dma_wait3A_466, %dma_wait3A_467, %dma_wait3A_468] : memref<8x128x32xf32, #tpu.memory_space<vmem>> -> memref<1x128x32xf32, #tpu.memory_space<vmem>>
          %dma_wait3A_470 = tpu.memref_squeeze %dma_wait3A_469 : memref<1x128x32xf32, #tpu.memory_space<vmem>> -> memref<128x32xf32, #tpu.memory_space<vmem>>
          %dma_wait3A_471 = tpu.memref_slice %arg6[%add3A_463, %mul3A_465] : memref<80000x128xf32, #tpu.memory_space<hbm>> -> memref<128x32xf32, #tpu.memory_space<hbm>>
          %dma_wait3A_472 = tpu.memref_slice %arg6[%add3A_463, %mul3A_465] : memref<80000x128xf32, #tpu.memory_space<hbm>> -> memref<128x32xf32, #tpu.memory_space<hbm>>
          %dma_wait3A_473 = arith.constant 0 : i32
          %dma_wait3A_474 = arith.constant 0 : i32
          %dma_wait3A_475 = tpu.memref_slice %arg9[%dma_wait3A_466, %dma_wait3A_473, %dma_wait3A_474] : memref<8x128x32xf32, #tpu.memory_space<vmem>> -> memref<1x128x32xf32, #tpu.memory_space<vmem>>
          %dma_wait3A_476 = tpu.memref_squeeze %dma_wait3A_475 : memref<1x128x32xf32, #tpu.memory_space<vmem>> -> memref<128x32xf32, #tpu.memory_space<vmem>>
          tpu.wait_dma2 semaphore(%arg30 : memref<!tpu.dma_semaphore, #tpu.memory_space<semaphore_mem>>) src(%dma_wait3A_476 : memref<128x32xf32, #tpu.memory_space<vmem>>) dst(%dma_wait3A_472 : memref<128x32xf32, #tpu.memory_space<hbm>>)
        } else {
        }
        %add3A_446 = arith.constant 4 : i32
        %add3A_447 = arith.addi %add3A_288, %add3A_446 : i32
        %mul3A_448 = arith.constant 128 : i32
        %mul3A_449 = arith.muli %add3A_447, %mul3A_448 : i32
        %dma_start3A_450 = arith.constant 4 : i32
        %dma_start3A_451 = arith.constant 0 : i32
        %dma_start3A_452 = arith.constant 0 : i32
        %dma_start3A_453 = tpu.memref_slice %arg9[%dma_start3A_450, %dma_start3A_451, %dma_start3A_452] : memref<8x128x32xf32, #tpu.memory_space<vmem>> -> memref<1x128x32xf32, #tpu.memory_space<vmem>>
        %dma_start3A_454 = tpu.memref_squeeze %dma_start3A_453 : memref<1x128x32xf32, #tpu.memory_space<vmem>> -> memref<128x32xf32, #tpu.memory_space<vmem>>
        %dma_start3A_455 = tpu.memref_slice %arg7[%mul3A_449] : memref<10112xi32, #tpu.memory_space<vmem>> -> memref<128xi32, #tpu.memory_space<vmem>>
        %dma_start3A_456 = arith.constant 0 : i32
        %dma_start3A_457 = arith.constant 0 : i32
        %dma_start3A_458 = tpu.memref_slice %arg2[%dma_start3A_456, %dma_start3A_457] : memref<10000x32xf32, #tpu.memory_space<hbm>> -> memref<10000x32xf32, #tpu.memory_space<hbm>>
        tpu.enqueue_indirect_dma source(%dma_start3A_458 : memref<10000x32xf32, #tpu.memory_space<hbm>>) target(%dma_start3A_454 : memref<128x32xf32, #tpu.memory_space<vmem>>) offsets(%dma_start3A_455 : memref<128xi32, #tpu.memory_space<vmem>>) semaphore(%arg14 : memref<!tpu.dma_semaphore, #tpu.memory_space<semaphore_mem>>)
      } else {
      }
      %mul3A_302 = arith.constant 8 : i32
      %mul3A_303 = arith.muli %scan3A_284, %mul3A_302 : i32
      %add3A_304 = arith.constant 1 : i32
      %add3A_305 = arith.addi %mul3A_303, %add3A_304 : i32
      %lt3A_306 = arith.cmpi slt, %add3A_305, %sub3A_47 : i32
      %convert_element_type3A_307 = arith.extui %lt3A_306 : i1 to i32
      %cond3A_308 = arith.constant 0 : i32
      %cond3A_309 = arith.cmpi ne, %convert_element_type3A_307, %cond3A_308 : i32
      scf.if %cond3A_309 {
        %mul3A_442 = arith.constant 128 : i32
        %mul3A_443 = arith.muli %add3A_305, %mul3A_442 : i32
        %dma_wait3A_444 = arith.constant 1 : i32
        %dma_wait3A_445 = arith.constant 0 : i32
        %dma_wait3A_446 = arith.constant 0 : i32
        %dma_wait3A_447 = tpu.memref_slice %arg9[%dma_wait3A_444, %dma_wait3A_445, %dma_wait3A_446] : memref<8x128x32xf32, #tpu.memory_space<vmem>> -> memref<1x128x32xf32, #tpu.memory_space<vmem>>
        %dma_wait3A_448 = tpu.memref_squeeze %dma_wait3A_447 : memref<1x128x32xf32, #tpu.memory_space<vmem>> -> memref<128x32xf32, #tpu.memory_space<vmem>>
        %dma_wait3A_449 = tpu.memref_slice %arg8[%mul3A_443] : memref<10112xi32, #tpu.memory_space<vmem>> -> memref<128xi32, #tpu.memory_space<vmem>>
        %dma_wait3A_450 = arith.constant 0 : i32
        %dma_wait3A_451 = arith.constant 0 : i32
        %dma_wait3A_452 = tpu.memref_slice %arg3[%dma_wait3A_450, %dma_wait3A_451] : memref<10000x32xf32, #tpu.memory_space<hbm>> -> memref<10000x32xf32, #tpu.memory_space<hbm>>
        tpu.wait_indirect_dma semaphore(%arg19 : memref<!tpu.dma_semaphore, #tpu.memory_space<semaphore_mem>>) src(%dma_wait3A_452 : memref<10000x32xf32, #tpu.memory_space<hbm>>) dst(%dma_wait3A_448 : memref<128x32xf32, #tpu.memory_space<vmem>>)
        %mul3A_453 = arith.constant 128 : i32
        %mul3A_454 = arith.muli %add3A_305, %mul3A_453 : i32
        %add3A_455 = arith.addi %mul3A_76, %mul3A_454 : i32
        %mul3A_456 = arith.constant 32 : i32
        %mul3A_457 = arith.muli %select_n3A_71, %mul3A_456 : i32
        %dma_start3A_458 = arith.constant 1 : i32
        %dma_start3A_459 = arith.constant 0 : i32
        %dma_start3A_460 = arith.constant 0 : i32
        %dma_start3A_461 = tpu.memref_slice %arg9[%dma_start3A_458, %dma_start3A_459, %dma_start3A_460] : memref<8x128x32xf32, #tpu.memory_space<vmem>> -> memref<1x128x32xf32, #tpu.memory_space<vmem>>
        %dma_start3A_462 = tpu.memref_squeeze %dma_start3A_461 : memref<1x128x32xf32, #tpu.memory_space<vmem>> -> memref<128x32xf32, #tpu.memory_space<vmem>>
        %dma_start3A_463 = tpu.memref_slice %arg6[%add3A_455, %mul3A_457] : memref<80000x128xf32, #tpu.memory_space<hbm>> -> memref<128x32xf32, #tpu.memory_space<hbm>>
        %dma_start3A_464 = tpu.memref_slice %arg6[%add3A_455, %mul3A_457] : memref<80000x128xf32, #tpu.memory_space<hbm>> -> memref<128x32xf32, #tpu.memory_space<hbm>>
        %dma_start3A_465 = arith.constant 0 : i32
        %dma_start3A_466 = arith.constant 0 : i32
        %dma_start3A_467 = tpu.memref_slice %arg9[%dma_start3A_458, %dma_start3A_465, %dma_start3A_466] : memref<8x128x32xf32, #tpu.memory_space<vmem>> -> memref<1x128x32xf32, #tpu.memory_space<vmem>>
        %dma_start3A_468 = tpu.memref_squeeze %dma_start3A_467 : memref<1x128x32xf32, #tpu.memory_space<vmem>> -> memref<128x32xf32, #tpu.memory_space<vmem>>
        tpu.enqueue_dma source(%dma_start3A_468 : memref<128x32xf32, #tpu.memory_space<vmem>>) target(%dma_start3A_464 : memref<128x32xf32, #tpu.memory_space<hbm>>) target_semaphore(%arg27 : memref<!tpu.dma_semaphore, #tpu.memory_space<semaphore_mem>>)
      } else {
      }
      %add3A_310 = arith.constant 2 : i32
      %add3A_311 = arith.addi %add3A_305, %add3A_310 : i32
      %lt3A_312 = arith.cmpi slt, %add3A_311, %sub3A_47 : i32
      %convert_element_type3A_313 = arith.extui %lt3A_312 : i1 to i32
      %cond3A_314 = arith.constant 0 : i32
      %cond3A_315 = arith.cmpi ne, %convert_element_type3A_313, %cond3A_314 : i32
      scf.if %cond3A_315 {
        %add3A_442 = arith.constant 2 : i32
        %add3A_443 = arith.addi %add3A_305, %add3A_442 : i32
        %mul3A_444 = arith.constant 128 : i32
        %mul3A_445 = arith.muli %add3A_443, %mul3A_444 : i32
        %dma_wait3A_446 = arith.constant 3 : i32
        %dma_wait3A_447 = arith.constant 0 : i32
        %dma_wait3A_448 = arith.constant 0 : i32
        %dma_wait3A_449 = tpu.memref_slice %arg9[%dma_wait3A_446, %dma_wait3A_447, %dma_wait3A_448] : memref<8x128x32xf32, #tpu.memory_space<vmem>> -> memref<1x128x32xf32, #tpu.memory_space<vmem>>
        %dma_wait3A_450 = tpu.memref_squeeze %dma_wait3A_449 : memref<1x128x32xf32, #tpu.memory_space<vmem>> -> memref<128x32xf32, #tpu.memory_space<vmem>>
        %dma_wait3A_451 = tpu.memref_slice %arg7[%mul3A_445] : memref<10112xi32, #tpu.memory_space<vmem>> -> memref<128xi32, #tpu.memory_space<vmem>>
        %dma_wait3A_452 = arith.constant 0 : i32
        %dma_wait3A_453 = arith.constant 0 : i32
        %dma_wait3A_454 = tpu.memref_slice %arg2[%dma_wait3A_452, %dma_wait3A_453] : memref<10000x32xf32, #tpu.memory_space<hbm>> -> memref<10000x32xf32, #tpu.memory_space<hbm>>
        tpu.wait_indirect_dma semaphore(%arg13 : memref<!tpu.dma_semaphore, #tpu.memory_space<semaphore_mem>>) src(%dma_wait3A_454 : memref<10000x32xf32, #tpu.memory_space<hbm>>) dst(%dma_wait3A_450 : memref<128x32xf32, #tpu.memory_space<vmem>>)
        %add3A_455 = arith.constant 2 : i32
        %add3A_456 = arith.addi %add3A_305, %add3A_455 : i32
        %mul3A_457 = arith.constant 128 : i32
        %mul3A_458 = arith.muli %add3A_456, %mul3A_457 : i32
        %dma_start3A_459 = arith.constant 3 : i32
        %dma_start3A_460 = arith.constant 0 : i32
        %dma_start3A_461 = arith.constant 0 : i32
        %dma_start3A_462 = tpu.memref_slice %arg9[%dma_start3A_459, %dma_start3A_460, %dma_start3A_461] : memref<8x128x32xf32, #tpu.memory_space<vmem>> -> memref<1x128x32xf32, #tpu.memory_space<vmem>>
        %dma_start3A_463 = tpu.memref_squeeze %dma_start3A_462 : memref<1x128x32xf32, #tpu.memory_space<vmem>> -> memref<128x32xf32, #tpu.memory_space<vmem>>
        %dma_start3A_464 = tpu.memref_slice %arg8[%mul3A_458] : memref<10112xi32, #tpu.memory_space<vmem>> -> memref<128xi32, #tpu.memory_space<vmem>>
        %dma_start3A_465 = arith.constant 0 : i32
        %dma_start3A_466 = arith.constant 0 : i32
        %dma_start3A_467 = tpu.memref_slice %arg3[%dma_start3A_465, %dma_start3A_466] : memref<10000x32xf32, #tpu.memory_space<hbm>> -> memref<10000x32xf32, #tpu.memory_space<hbm>>
        tpu.enqueue_indirect_dma source(%dma_start3A_467 : memref<10000x32xf32, #tpu.memory_space<hbm>>) target(%dma_start3A_463 : memref<128x32xf32, #tpu.memory_space<vmem>>) offsets(%dma_start3A_464 : memref<128xi32, #tpu.memory_space<vmem>>) semaphore(%arg21 : memref<!tpu.dma_semaphore, #tpu.memory_space<semaphore_mem>>) {add = true}
      } else {
      }
      %add3A_316 = arith.constant 4 : i32
      %add3A_317 = arith.addi %add3A_305, %add3A_316 : i32
      %lt3A_318 = arith.cmpi slt, %add3A_317, %sub3A_47 : i32
      %convert_element_type3A_319 = arith.extui %lt3A_318 : i1 to i32
      %cond3A_320 = arith.constant 0 : i32
      %cond3A_321 = arith.cmpi ne, %convert_element_type3A_319, %cond3A_320 : i32
      scf.if %cond3A_321 {
        %ge3A = arith.constant 4 : i32
        %ge3A_442 = arith.cmpi sge, %add3A_305, %ge3A : i32
        %convert_element_type3A_443 = arith.extui %ge3A_442 : i1 to i32
        %cond3A_444 = arith.constant 0 : i32
        %cond3A_445 = arith.cmpi ne, %convert_element_type3A_443, %cond3A_444 : i32
        scf.if %cond3A_445 {
          %sub3A_459 = arith.constant 4 : i32
          %sub3A_460 = arith.subi %add3A_305, %sub3A_459 : i32
          %mul3A_461 = arith.constant 128 : i32
          %mul3A_462 = arith.muli %sub3A_460, %mul3A_461 : i32
          %add3A_463 = arith.addi %mul3A_76, %mul3A_462 : i32
          %mul3A_464 = arith.constant 32 : i32
          %mul3A_465 = arith.muli %select_n3A_71, %mul3A_464 : i32
          %dma_wait3A_466 = arith.constant 5 : i32
          %dma_wait3A_467 = arith.constant 0 : i32
          %dma_wait3A_468 = arith.constant 0 : i32
          %dma_wait3A_469 = tpu.memref_slice %arg9[%dma_wait3A_466, %dma_wait3A_467, %dma_wait3A_468] : memref<8x128x32xf32, #tpu.memory_space<vmem>> -> memref<1x128x32xf32, #tpu.memory_space<vmem>>
          %dma_wait3A_470 = tpu.memref_squeeze %dma_wait3A_469 : memref<1x128x32xf32, #tpu.memory_space<vmem>> -> memref<128x32xf32, #tpu.memory_space<vmem>>
          %dma_wait3A_471 = tpu.memref_slice %arg6[%add3A_463, %mul3A_465] : memref<80000x128xf32, #tpu.memory_space<hbm>> -> memref<128x32xf32, #tpu.memory_space<hbm>>
          %dma_wait3A_472 = tpu.memref_slice %arg6[%add3A_463, %mul3A_465] : memref<80000x128xf32, #tpu.memory_space<hbm>> -> memref<128x32xf32, #tpu.memory_space<hbm>>
          %dma_wait3A_473 = arith.constant 0 : i32
          %dma_wait3A_474 = arith.constant 0 : i32
          %dma_wait3A_475 = tpu.memref_slice %arg9[%dma_wait3A_466, %dma_wait3A_473, %dma_wait3A_474] : memref<8x128x32xf32, #tpu.memory_space<vmem>> -> memref<1x128x32xf32, #tpu.memory_space<vmem>>
          %dma_wait3A_476 = tpu.memref_squeeze %dma_wait3A_475 : memref<1x128x32xf32, #tpu.memory_space<vmem>> -> memref<128x32xf32, #tpu.memory_space<vmem>>
          tpu.wait_dma2 semaphore(%arg31 : memref<!tpu.dma_semaphore, #tpu.memory_space<semaphore_mem>>) src(%dma_wait3A_476 : memref<128x32xf32, #tpu.memory_space<vmem>>) dst(%dma_wait3A_472 : memref<128x32xf32, #tpu.memory_space<hbm>>)
        } else {
        }
        %add3A_446 = arith.constant 4 : i32
        %add3A_447 = arith.addi %add3A_305, %add3A_446 : i32
        %mul3A_448 = arith.constant 128 : i32
        %mul3A_449 = arith.muli %add3A_447, %mul3A_448 : i32
        %dma_start3A_450 = arith.constant 5 : i32
        %dma_start3A_451 = arith.constant 0 : i32
        %dma_start3A_452 = arith.constant 0 : i32
        %dma_start3A_453 = tpu.memref_slice %arg9[%dma_start3A_450, %dma_start3A_451, %dma_start3A_452] : memref<8x128x32xf32, #tpu.memory_space<vmem>> -> memref<1x128x32xf32, #tpu.memory_space<vmem>>
        %dma_start3A_454 = tpu.memref_squeeze %dma_start3A_453 : memref<1x128x32xf32, #tpu.memory_space<vmem>> -> memref<128x32xf32, #tpu.memory_space<vmem>>
        %dma_start3A_455 = tpu.memref_slice %arg7[%mul3A_449] : memref<10112xi32, #tpu.memory_space<vmem>> -> memref<128xi32, #tpu.memory_space<vmem>>
        %dma_start3A_456 = arith.constant 0 : i32
        %dma_start3A_457 = arith.constant 0 : i32
        %dma_start3A_458 = tpu.memref_slice %arg2[%dma_start3A_456, %dma_start3A_457] : memref<10000x32xf32, #tpu.memory_space<hbm>> -> memref<10000x32xf32, #tpu.memory_space<hbm>>
        tpu.enqueue_indirect_dma source(%dma_start3A_458 : memref<10000x32xf32, #tpu.memory_space<hbm>>) target(%dma_start3A_454 : memref<128x32xf32, #tpu.memory_space<vmem>>) offsets(%dma_start3A_455 : memref<128xi32, #tpu.memory_space<vmem>>) semaphore(%arg15 : memref<!tpu.dma_semaphore, #tpu.memory_space<semaphore_mem>>)
      } else {
      }
      %mul3A_322 = arith.constant 8 : i32
      %mul3A_323 = arith.muli %scan3A_284, %mul3A_322 : i32
      %add3A_324 = arith.constant 2 : i32
      %add3A_325 = arith.addi %mul3A_323, %add3A_324 : i32
      %lt3A_326 = arith.cmpi slt, %add3A_325, %sub3A_47 : i32
      %convert_element_type3A_327 = arith.extui %lt3A_326 : i1 to i32
      %cond3A_328 = arith.constant 0 : i32
      %cond3A_329 = arith.cmpi ne, %convert_element_type3A_327, %cond3A_328 : i32
      scf.if %cond3A_329 {
        %mul3A_442 = arith.constant 128 : i32
        %mul3A_443 = arith.muli %add3A_325, %mul3A_442 : i32
        %dma_wait3A_444 = arith.constant 2 : i32
        %dma_wait3A_445 = arith.constant 0 : i32
        %dma_wait3A_446 = arith.constant 0 : i32
        %dma_wait3A_447 = tpu.memref_slice %arg9[%dma_wait3A_444, %dma_wait3A_445, %dma_wait3A_446] : memref<8x128x32xf32, #tpu.memory_space<vmem>> -> memref<1x128x32xf32, #tpu.memory_space<vmem>>
        %dma_wait3A_448 = tpu.memref_squeeze %dma_wait3A_447 : memref<1x128x32xf32, #tpu.memory_space<vmem>> -> memref<128x32xf32, #tpu.memory_space<vmem>>
        %dma_wait3A_449 = tpu.memref_slice %arg8[%mul3A_443] : memref<10112xi32, #tpu.memory_space<vmem>> -> memref<128xi32, #tpu.memory_space<vmem>>
        %dma_wait3A_450 = arith.constant 0 : i32
        %dma_wait3A_451 = arith.constant 0 : i32
        %dma_wait3A_452 = tpu.memref_slice %arg3[%dma_wait3A_450, %dma_wait3A_451] : memref<10000x32xf32, #tpu.memory_space<hbm>> -> memref<10000x32xf32, #tpu.memory_space<hbm>>
        tpu.wait_indirect_dma semaphore(%arg20 : memref<!tpu.dma_semaphore, #tpu.memory_space<semaphore_mem>>) src(%dma_wait3A_452 : memref<10000x32xf32, #tpu.memory_space<hbm>>) dst(%dma_wait3A_448 : memref<128x32xf32, #tpu.memory_space<vmem>>)
        %mul3A_453 = arith.constant 128 : i32
        %mul3A_454 = arith.muli %add3A_325, %mul3A_453 : i32
        %add3A_455 = arith.addi %mul3A_76, %mul3A_454 : i32
        %mul3A_456 = arith.constant 32 : i32
        %mul3A_457 = arith.muli %select_n3A_71, %mul3A_456 : i32
        %dma_start3A_458 = arith.constant 2 : i32
        %dma_start3A_459 = arith.constant 0 : i32
        %dma_start3A_460 = arith.constant 0 : i32
        %dma_start3A_461 = tpu.memref_slice %arg9[%dma_start3A_458, %dma_start3A_459, %dma_start3A_460] : memref<8x128x32xf32, #tpu.memory_space<vmem>> -> memref<1x128x32xf32, #tpu.memory_space<vmem>>
        %dma_start3A_462 = tpu.memref_squeeze %dma_start3A_461 : memref<1x128x32xf32, #tpu.memory_space<vmem>> -> memref<128x32xf32, #tpu.memory_space<vmem>>
        %dma_start3A_463 = tpu.memref_slice %arg6[%add3A_455, %mul3A_457] : memref<80000x128xf32, #tpu.memory_space<hbm>> -> memref<128x32xf32, #tpu.memory_space<hbm>>
        %dma_start3A_464 = tpu.memref_slice %arg6[%add3A_455, %mul3A_457] : memref<80000x128xf32, #tpu.memory_space<hbm>> -> memref<128x32xf32, #tpu.memory_space<hbm>>
        %dma_start3A_465 = arith.constant 0 : i32
        %dma_start3A_466 = arith.constant 0 : i32
        %dma_start3A_467 = tpu.memref_slice %arg9[%dma_start3A_458, %dma_start3A_465, %dma_start3A_466] : memref<8x128x32xf32, #tpu.memory_space<vmem>> -> memref<1x128x32xf32, #tpu.memory_space<vmem>>
        %dma_start3A_468 = tpu.memref_squeeze %dma_start3A_467 : memref<1x128x32xf32, #tpu.memory_space<vmem>> -> memref<128x32xf32, #tpu.memory_space<vmem>>
        tpu.enqueue_dma source(%dma_start3A_468 : memref<128x32xf32, #tpu.memory_space<vmem>>) target(%dma_start3A_464 : memref<128x32xf32, #tpu.memory_space<hbm>>) target_semaphore(%arg28 : memref<!tpu.dma_semaphore, #tpu.memory_space<semaphore_mem>>)
      } else {
      }
      %add3A_330 = arith.constant 2 : i32
      %add3A_331 = arith.addi %add3A_325, %add3A_330 : i32
      %lt3A_332 = arith.cmpi slt, %add3A_331, %sub3A_47 : i32
      %convert_element_type3A_333 = arith.extui %lt3A_332 : i1 to i32
      %cond3A_334 = arith.constant 0 : i32
      %cond3A_335 = arith.cmpi ne, %convert_element_type3A_333, %cond3A_334 : i32
      scf.if %cond3A_335 {
        %add3A_442 = arith.constant 2 : i32
        %add3A_443 = arith.addi %add3A_325, %add3A_442 : i32
        %mul3A_444 = arith.constant 128 : i32
        %mul3A_445 = arith.muli %add3A_443, %mul3A_444 : i32
        %dma_wait3A_446 = arith.constant 4 : i32
        %dma_wait3A_447 = arith.constant 0 : i32
        %dma_wait3A_448 = arith.constant 0 : i32
        %dma_wait3A_449 = tpu.memref_slice %arg9[%dma_wait3A_446, %dma_wait3A_447, %dma_wait3A_448] : memref<8x128x32xf32, #tpu.memory_space<vmem>> -> memref<1x128x32xf32, #tpu.memory_space<vmem>>
        %dma_wait3A_450 = tpu.memref_squeeze %dma_wait3A_449 : memref<1x128x32xf32, #tpu.memory_space<vmem>> -> memref<128x32xf32, #tpu.memory_space<vmem>>
        %dma_wait3A_451 = tpu.memref_slice %arg7[%mul3A_445] : memref<10112xi32, #tpu.memory_space<vmem>> -> memref<128xi32, #tpu.memory_space<vmem>>
        %dma_wait3A_452 = arith.constant 0 : i32
        %dma_wait3A_453 = arith.constant 0 : i32
        %dma_wait3A_454 = tpu.memref_slice %arg2[%dma_wait3A_452, %dma_wait3A_453] : memref<10000x32xf32, #tpu.memory_space<hbm>> -> memref<10000x32xf32, #tpu.memory_space<hbm>>
        tpu.wait_indirect_dma semaphore(%arg14 : memref<!tpu.dma_semaphore, #tpu.memory_space<semaphore_mem>>) src(%dma_wait3A_454 : memref<10000x32xf32, #tpu.memory_space<hbm>>) dst(%dma_wait3A_450 : memref<128x32xf32, #tpu.memory_space<vmem>>)
        %add3A_455 = arith.constant 2 : i32
        %add3A_456 = arith.addi %add3A_325, %add3A_455 : i32
        %mul3A_457 = arith.constant 128 : i32
        %mul3A_458 = arith.muli %add3A_456, %mul3A_457 : i32
        %dma_start3A_459 = arith.constant 4 : i32
        %dma_start3A_460 = arith.constant 0 : i32
        %dma_start3A_461 = arith.constant 0 : i32
        %dma_start3A_462 = tpu.memref_slice %arg9[%dma_start3A_459, %dma_start3A_460, %dma_start3A_461] : memref<8x128x32xf32, #tpu.memory_space<vmem>> -> memref<1x128x32xf32, #tpu.memory_space<vmem>>
        %dma_start3A_463 = tpu.memref_squeeze %dma_start3A_462 : memref<1x128x32xf32, #tpu.memory_space<vmem>> -> memref<128x32xf32, #tpu.memory_space<vmem>>
        %dma_start3A_464 = tpu.memref_slice %arg8[%mul3A_458] : memref<10112xi32, #tpu.memory_space<vmem>> -> memref<128xi32, #tpu.memory_space<vmem>>
        %dma_start3A_465 = arith.constant 0 : i32
        %dma_start3A_466 = arith.constant 0 : i32
        %dma_start3A_467 = tpu.memref_slice %arg3[%dma_start3A_465, %dma_start3A_466] : memref<10000x32xf32, #tpu.memory_space<hbm>> -> memref<10000x32xf32, #tpu.memory_space<hbm>>
        tpu.enqueue_indirect_dma source(%dma_start3A_467 : memref<10000x32xf32, #tpu.memory_space<hbm>>) target(%dma_start3A_463 : memref<128x32xf32, #tpu.memory_space<vmem>>) offsets(%dma_start3A_464 : memref<128xi32, #tpu.memory_space<vmem>>) semaphore(%arg22 : memref<!tpu.dma_semaphore, #tpu.memory_space<semaphore_mem>>) {add = true}
      } else {
      }
      %add3A_336 = arith.constant 4 : i32
      %add3A_337 = arith.addi %add3A_325, %add3A_336 : i32
      %lt3A_338 = arith.cmpi slt, %add3A_337, %sub3A_47 : i32
      %convert_element_type3A_339 = arith.extui %lt3A_338 : i1 to i32
      %cond3A_340 = arith.constant 0 : i32
      %cond3A_341 = arith.cmpi ne, %convert_element_type3A_339, %cond3A_340 : i32
      scf.if %cond3A_341 {
        %ge3A = arith.constant 4 : i32
        %ge3A_442 = arith.cmpi sge, %add3A_325, %ge3A : i32
        %convert_element_type3A_443 = arith.extui %ge3A_442 : i1 to i32
        %cond3A_444 = arith.constant 0 : i32
        %cond3A_445 = arith.cmpi ne, %convert_element_type3A_443, %cond3A_444 : i32
        scf.if %cond3A_445 {
          %sub3A_459 = arith.constant 4 : i32
          %sub3A_460 = arith.subi %add3A_325, %sub3A_459 : i32
          %mul3A_461 = arith.constant 128 : i32
          %mul3A_462 = arith.muli %sub3A_460, %mul3A_461 : i32
          %add3A_463 = arith.addi %mul3A_76, %mul3A_462 : i32
          %mul3A_464 = arith.constant 32 : i32
          %mul3A_465 = arith.muli %select_n3A_71, %mul3A_464 : i32
          %dma_wait3A_466 = arith.constant 6 : i32
          %dma_wait3A_467 = arith.constant 0 : i32
          %dma_wait3A_468 = arith.constant 0 : i32
          %dma_wait3A_469 = tpu.memref_slice %arg9[%dma_wait3A_466, %dma_wait3A_467, %dma_wait3A_468] : memref<8x128x32xf32, #tpu.memory_space<vmem>> -> memref<1x128x32xf32, #tpu.memory_space<vmem>>
          %dma_wait3A_470 = tpu.memref_squeeze %dma_wait3A_469 : memref<1x128x32xf32, #tpu.memory_space<vmem>> -> memref<128x32xf32, #tpu.memory_space<vmem>>
          %dma_wait3A_471 = tpu.memref_slice %arg6[%add3A_463, %mul3A_465] : memref<80000x128xf32, #tpu.memory_space<hbm>> -> memref<128x32xf32, #tpu.memory_space<hbm>>
          %dma_wait3A_472 = tpu.memref_slice %arg6[%add3A_463, %mul3A_465] : memref<80000x128xf32, #tpu.memory_space<hbm>> -> memref<128x32xf32, #tpu.memory_space<hbm>>
          %dma_wait3A_473 = arith.constant 0 : i32
          %dma_wait3A_474 = arith.constant 0 : i32
          %dma_wait3A_475 = tpu.memref_slice %arg9[%dma_wait3A_466, %dma_wait3A_473, %dma_wait3A_474] : memref<8x128x32xf32, #tpu.memory_space<vmem>> -> memref<1x128x32xf32, #tpu.memory_space<vmem>>
          %dma_wait3A_476 = tpu.memref_squeeze %dma_wait3A_475 : memref<1x128x32xf32, #tpu.memory_space<vmem>> -> memref<128x32xf32, #tpu.memory_space<vmem>>
          tpu.wait_dma2 semaphore(%arg32 : memref<!tpu.dma_semaphore, #tpu.memory_space<semaphore_mem>>) src(%dma_wait3A_476 : memref<128x32xf32, #tpu.memory_space<vmem>>) dst(%dma_wait3A_472 : memref<128x32xf32, #tpu.memory_space<hbm>>)
        } else {
        }
        %add3A_446 = arith.constant 4 : i32
        %add3A_447 = arith.addi %add3A_325, %add3A_446 : i32
        %mul3A_448 = arith.constant 128 : i32
        %mul3A_449 = arith.muli %add3A_447, %mul3A_448 : i32
        %dma_start3A_450 = arith.constant 6 : i32
        %dma_start3A_451 = arith.constant 0 : i32
        %dma_start3A_452 = arith.constant 0 : i32
        %dma_start3A_453 = tpu.memref_slice %arg9[%dma_start3A_450, %dma_start3A_451, %dma_start3A_452] : memref<8x128x32xf32, #tpu.memory_space<vmem>> -> memref<1x128x32xf32, #tpu.memory_space<vmem>>
        %dma_start3A_454 = tpu.memref_squeeze %dma_start3A_453 : memref<1x128x32xf32, #tpu.memory_space<vmem>> -> memref<128x32xf32, #tpu.memory_space<vmem>>
        %dma_start3A_455 = tpu.memref_slice %arg7[%mul3A_449] : memref<10112xi32, #tpu.memory_space<vmem>> -> memref<128xi32, #tpu.memory_space<vmem>>
        %dma_start3A_456 = arith.constant 0 : i32
        %dma_start3A_457 = arith.constant 0 : i32
        %dma_start3A_458 = tpu.memref_slice %arg2[%dma_start3A_456, %dma_start3A_457] : memref<10000x32xf32, #tpu.memory_space<hbm>> -> memref<10000x32xf32, #tpu.memory_space<hbm>>
        tpu.enqueue_indirect_dma source(%dma_start3A_458 : memref<10000x32xf32, #tpu.memory_space<hbm>>) target(%dma_start3A_454 : memref<128x32xf32, #tpu.memory_space<vmem>>) offsets(%dma_start3A_455 : memref<128xi32, #tpu.memory_space<vmem>>) semaphore(%arg16 : memref<!tpu.dma_semaphore, #tpu.memory_space<semaphore_mem>>)
      } else {
      }
      %mul3A_342 = arith.constant 8 : i32
      %mul3A_343 = arith.muli %scan3A_284, %mul3A_342 : i32
      %add3A_344 = arith.constant 3 : i32
      %add3A_345 = arith.addi %mul3A_343, %add3A_344 : i32
      %lt3A_346 = arith.cmpi slt, %add3A_345, %sub3A_47 : i32
      %convert_element_type3A_347 = arith.extui %lt3A_346 : i1 to i32
      %cond3A_348 = arith.constant 0 : i32
      %cond3A_349 = arith.cmpi ne, %convert_element_type3A_347, %cond3A_348 : i32
      scf.if %cond3A_349 {
        %mul3A_442 = arith.constant 128 : i32
        %mul3A_443 = arith.muli %add3A_345, %mul3A_442 : i32
        %dma_wait3A_444 = arith.constant 3 : i32
        %dma_wait3A_445 = arith.constant 0 : i32
        %dma_wait3A_446 = arith.constant 0 : i32
        %dma_wait3A_447 = tpu.memref_slice %arg9[%dma_wait3A_444, %dma_wait3A_445, %dma_wait3A_446] : memref<8x128x32xf32, #tpu.memory_space<vmem>> -> memref<1x128x32xf32, #tpu.memory_space<vmem>>
        %dma_wait3A_448 = tpu.memref_squeeze %dma_wait3A_447 : memref<1x128x32xf32, #tpu.memory_space<vmem>> -> memref<128x32xf32, #tpu.memory_space<vmem>>
        %dma_wait3A_449 = tpu.memref_slice %arg8[%mul3A_443] : memref<10112xi32, #tpu.memory_space<vmem>> -> memref<128xi32, #tpu.memory_space<vmem>>
        %dma_wait3A_450 = arith.constant 0 : i32
        %dma_wait3A_451 = arith.constant 0 : i32
        %dma_wait3A_452 = tpu.memref_slice %arg3[%dma_wait3A_450, %dma_wait3A_451] : memref<10000x32xf32, #tpu.memory_space<hbm>> -> memref<10000x32xf32, #tpu.memory_space<hbm>>
        tpu.wait_indirect_dma semaphore(%arg21 : memref<!tpu.dma_semaphore, #tpu.memory_space<semaphore_mem>>) src(%dma_wait3A_452 : memref<10000x32xf32, #tpu.memory_space<hbm>>) dst(%dma_wait3A_448 : memref<128x32xf32, #tpu.memory_space<vmem>>)
        %mul3A_453 = arith.constant 128 : i32
        %mul3A_454 = arith.muli %add3A_345, %mul3A_453 : i32
        %add3A_455 = arith.addi %mul3A_76, %mul3A_454 : i32
        %mul3A_456 = arith.constant 32 : i32
        %mul3A_457 = arith.muli %select_n3A_71, %mul3A_456 : i32
        %dma_start3A_458 = arith.constant 3 : i32
        %dma_start3A_459 = arith.constant 0 : i32
        %dma_start3A_460 = arith.constant 0 : i32
        %dma_start3A_461 = tpu.memref_slice %arg9[%dma_start3A_458, %dma_start3A_459, %dma_start3A_460] : memref<8x128x32xf32, #tpu.memory_space<vmem>> -> memref<1x128x32xf32, #tpu.memory_space<vmem>>
        %dma_start3A_462 = tpu.memref_squeeze %dma_start3A_461 : memref<1x128x32xf32, #tpu.memory_space<vmem>> -> memref<128x32xf32, #tpu.memory_space<vmem>>
        %dma_start3A_463 = tpu.memref_slice %arg6[%add3A_455, %mul3A_457] : memref<80000x128xf32, #tpu.memory_space<hbm>> -> memref<128x32xf32, #tpu.memory_space<hbm>>
        %dma_start3A_464 = tpu.memref_slice %arg6[%add3A_455, %mul3A_457] : memref<80000x128xf32, #tpu.memory_space<hbm>> -> memref<128x32xf32, #tpu.memory_space<hbm>>
        %dma_start3A_465 = arith.constant 0 : i32
        %dma_start3A_466 = arith.constant 0 : i32
        %dma_start3A_467 = tpu.memref_slice %arg9[%dma_start3A_458, %dma_start3A_465, %dma_start3A_466] : memref<8x128x32xf32, #tpu.memory_space<vmem>> -> memref<1x128x32xf32, #tpu.memory_space<vmem>>
        %dma_start3A_468 = tpu.memref_squeeze %dma_start3A_467 : memref<1x128x32xf32, #tpu.memory_space<vmem>> -> memref<128x32xf32, #tpu.memory_space<vmem>>
        tpu.enqueue_dma source(%dma_start3A_468 : memref<128x32xf32, #tpu.memory_space<vmem>>) target(%dma_start3A_464 : memref<128x32xf32, #tpu.memory_space<hbm>>) target_semaphore(%arg29 : memref<!tpu.dma_semaphore, #tpu.memory_space<semaphore_mem>>)
      } else {
      }
      %add3A_350 = arith.constant 2 : i32
      %add3A_351 = arith.addi %add3A_345, %add3A_350 : i32
      %lt3A_352 = arith.cmpi slt, %add3A_351, %sub3A_47 : i32
      %convert_element_type3A_353 = arith.extui %lt3A_352 : i1 to i32
      %cond3A_354 = arith.constant 0 : i32
      %cond3A_355 = arith.cmpi ne, %convert_element_type3A_353, %cond3A_354 : i32
      scf.if %cond3A_355 {
        %add3A_442 = arith.constant 2 : i32
        %add3A_443 = arith.addi %add3A_345, %add3A_442 : i32
        %mul3A_444 = arith.constant 128 : i32
        %mul3A_445 = arith.muli %add3A_443, %mul3A_444 : i32
        %dma_wait3A_446 = arith.constant 5 : i32
        %dma_wait3A_447 = arith.constant 0 : i32
        %dma_wait3A_448 = arith.constant 0 : i32
        %dma_wait3A_449 = tpu.memref_slice %arg9[%dma_wait3A_446, %dma_wait3A_447, %dma_wait3A_448] : memref<8x128x32xf32, #tpu.memory_space<vmem>> -> memref<1x128x32xf32, #tpu.memory_space<vmem>>
        %dma_wait3A_450 = tpu.memref_squeeze %dma_wait3A_449 : memref<1x128x32xf32, #tpu.memory_space<vmem>> -> memref<128x32xf32, #tpu.memory_space<vmem>>
        %dma_wait3A_451 = tpu.memref_slice %arg7[%mul3A_445] : memref<10112xi32, #tpu.memory_space<vmem>> -> memref<128xi32, #tpu.memory_space<vmem>>
        %dma_wait3A_452 = arith.constant 0 : i32
        %dma_wait3A_453 = arith.constant 0 : i32
        %dma_wait3A_454 = tpu.memref_slice %arg2[%dma_wait3A_452, %dma_wait3A_453] : memref<10000x32xf32, #tpu.memory_space<hbm>> -> memref<10000x32xf32, #tpu.memory_space<hbm>>
        tpu.wait_indirect_dma semaphore(%arg15 : memref<!tpu.dma_semaphore, #tpu.memory_space<semaphore_mem>>) src(%dma_wait3A_454 : memref<10000x32xf32, #tpu.memory_space<hbm>>) dst(%dma_wait3A_450 : memref<128x32xf32, #tpu.memory_space<vmem>>)
        %add3A_455 = arith.constant 2 : i32
        %add3A_456 = arith.addi %add3A_345, %add3A_455 : i32
        %mul3A_457 = arith.constant 128 : i32
        %mul3A_458 = arith.muli %add3A_456, %mul3A_457 : i32
        %dma_start3A_459 = arith.constant 5 : i32
        %dma_start3A_460 = arith.constant 0 : i32
        %dma_start3A_461 = arith.constant 0 : i32
        %dma_start3A_462 = tpu.memref_slice %arg9[%dma_start3A_459, %dma_start3A_460, %dma_start3A_461] : memref<8x128x32xf32, #tpu.memory_space<vmem>> -> memref<1x128x32xf32, #tpu.memory_space<vmem>>
        %dma_start3A_463 = tpu.memref_squeeze %dma_start3A_462 : memref<1x128x32xf32, #tpu.memory_space<vmem>> -> memref<128x32xf32, #tpu.memory_space<vmem>>
        %dma_start3A_464 = tpu.memref_slice %arg8[%mul3A_458] : memref<10112xi32, #tpu.memory_space<vmem>> -> memref<128xi32, #tpu.memory_space<vmem>>
        %dma_start3A_465 = arith.constant 0 : i32
        %dma_start3A_466 = arith.constant 0 : i32
        %dma_start3A_467 = tpu.memref_slice %arg3[%dma_start3A_465, %dma_start3A_466] : memref<10000x32xf32, #tpu.memory_space<hbm>> -> memref<10000x32xf32, #tpu.memory_space<hbm>>
        tpu.enqueue_indirect_dma source(%dma_start3A_467 : memref<10000x32xf32, #tpu.memory_space<hbm>>) target(%dma_start3A_463 : memref<128x32xf32, #tpu.memory_space<vmem>>) offsets(%dma_start3A_464 : memref<128xi32, #tpu.memory_space<vmem>>) semaphore(%arg23 : memref<!tpu.dma_semaphore, #tpu.memory_space<semaphore_mem>>) {add = true}
      } else {
      }
      %add3A_356 = arith.constant 4 : i32
      %add3A_357 = arith.addi %add3A_345, %add3A_356 : i32
      %lt3A_358 = arith.cmpi slt, %add3A_357, %sub3A_47 : i32
      %convert_element_type3A_359 = arith.extui %lt3A_358 : i1 to i32
      %cond3A_360 = arith.constant 0 : i32
      %cond3A_361 = arith.cmpi ne, %convert_element_type3A_359, %cond3A_360 : i32
      scf.if %cond3A_361 {
        %ge3A = arith.constant 4 : i32
        %ge3A_442 = arith.cmpi sge, %add3A_345, %ge3A : i32
        %convert_element_type3A_443 = arith.extui %ge3A_442 : i1 to i32
        %cond3A_444 = arith.constant 0 : i32
        %cond3A_445 = arith.cmpi ne, %convert_element_type3A_443, %cond3A_444 : i32
        scf.if %cond3A_445 {
          %sub3A_459 = arith.constant 4 : i32
          %sub3A_460 = arith.subi %add3A_345, %sub3A_459 : i32
          %mul3A_461 = arith.constant 128 : i32
          %mul3A_462 = arith.muli %sub3A_460, %mul3A_461 : i32
          %add3A_463 = arith.addi %mul3A_76, %mul3A_462 : i32
          %mul3A_464 = arith.constant 32 : i32
          %mul3A_465 = arith.muli %select_n3A_71, %mul3A_464 : i32
          %dma_wait3A_466 = arith.constant 7 : i32
          %dma_wait3A_467 = arith.constant 0 : i32
          %dma_wait3A_468 = arith.constant 0 : i32
          %dma_wait3A_469 = tpu.memref_slice %arg9[%dma_wait3A_466, %dma_wait3A_467, %dma_wait3A_468] : memref<8x128x32xf32, #tpu.memory_space<vmem>> -> memref<1x128x32xf32, #tpu.memory_space<vmem>>
          %dma_wait3A_470 = tpu.memref_squeeze %dma_wait3A_469 : memref<1x128x32xf32, #tpu.memory_space<vmem>> -> memref<128x32xf32, #tpu.memory_space<vmem>>
          %dma_wait3A_471 = tpu.memref_slice %arg6[%add3A_463, %mul3A_465] : memref<80000x128xf32, #tpu.memory_space<hbm>> -> memref<128x32xf32, #tpu.memory_space<hbm>>
          %dma_wait3A_472 = tpu.memref_slice %arg6[%add3A_463, %mul3A_465] : memref<80000x128xf32, #tpu.memory_space<hbm>> -> memref<128x32xf32, #tpu.memory_space<hbm>>
          %dma_wait3A_473 = arith.constant 0 : i32
          %dma_wait3A_474 = arith.constant 0 : i32
          %dma_wait3A_475 = tpu.memref_slice %arg9[%dma_wait3A_466, %dma_wait3A_473, %dma_wait3A_474] : memref<8x128x32xf32, #tpu.memory_space<vmem>> -> memref<1x128x32xf32, #tpu.memory_space<vmem>>
          %dma_wait3A_476 = tpu.memref_squeeze %dma_wait3A_475 : memref<1x128x32xf32, #tpu.memory_space<vmem>> -> memref<128x32xf32, #tpu.memory_space<vmem>>
          tpu.wait_dma2 semaphore(%arg33 : memref<!tpu.dma_semaphore, #tpu.memory_space<semaphore_mem>>) src(%dma_wait3A_476 : memref<128x32xf32, #tpu.memory_space<vmem>>) dst(%dma_wait3A_472 : memref<128x32xf32, #tpu.memory_space<hbm>>)
        } else {
        }
        %add3A_446 = arith.constant 4 : i32
        %add3A_447 = arith.addi %add3A_345, %add3A_446 : i32
        %mul3A_448 = arith.constant 128 : i32
        %mul3A_449 = arith.muli %add3A_447, %mul3A_448 : i32
        %dma_start3A_450 = arith.constant 7 : i32
        %dma_start3A_451 = arith.constant 0 : i32
        %dma_start3A_452 = arith.constant 0 : i32
        %dma_start3A_453 = tpu.memref_slice %arg9[%dma_start3A_450, %dma_start3A_451, %dma_start3A_452] : memref<8x128x32xf32, #tpu.memory_space<vmem>> -> memref<1x128x32xf32, #tpu.memory_space<vmem>>
        %dma_start3A_454 = tpu.memref_squeeze %dma_start3A_453 : memref<1x128x32xf32, #tpu.memory_space<vmem>> -> memref<128x32xf32, #tpu.memory_space<vmem>>
        %dma_start3A_455 = tpu.memref_slice %arg7[%mul3A_449] : memref<10112xi32, #tpu.memory_space<vmem>> -> memref<128xi32, #tpu.memory_space<vmem>>
        %dma_start3A_456 = arith.constant 0 : i32
        %dma_start3A_457 = arith.constant 0 : i32
        %dma_start3A_458 = tpu.memref_slice %arg2[%dma_start3A_456, %dma_start3A_457] : memref<10000x32xf32, #tpu.memory_space<hbm>> -> memref<10000x32xf32, #tpu.memory_space<hbm>>
        tpu.enqueue_indirect_dma source(%dma_start3A_458 : memref<10000x32xf32, #tpu.memory_space<hbm>>) target(%dma_start3A_454 : memref<128x32xf32, #tpu.memory_space<vmem>>) offsets(%dma_start3A_455 : memref<128xi32, #tpu.memory_space<vmem>>) semaphore(%arg17 : memref<!tpu.dma_semaphore, #tpu.memory_space<semaphore_mem>>)
      } else {
      }
      %mul3A_362 = arith.constant 8 : i32
      %mul3A_363 = arith.muli %scan3A_284, %mul3A_362 : i32
      %add3A_364 = arith.constant 4 : i32
      %add3A_365 = arith.addi %mul3A_363, %add3A_364 : i32
      %lt3A_366 = arith.cmpi slt, %add3A_365, %sub3A_47 : i32
      %convert_element_type3A_367 = arith.extui %lt3A_366 : i1 to i32
      %cond3A_368 = arith.constant 0 : i32
      %cond3A_369 = arith.cmpi ne, %convert_element_type3A_367, %cond3A_368 : i32
      scf.if %cond3A_369 {
        %mul3A_442 = arith.constant 128 : i32
        %mul3A_443 = arith.muli %add3A_365, %mul3A_442 : i32
        %dma_wait3A_444 = arith.constant 4 : i32
        %dma_wait3A_445 = arith.constant 0 : i32
        %dma_wait3A_446 = arith.constant 0 : i32
        %dma_wait3A_447 = tpu.memref_slice %arg9[%dma_wait3A_444, %dma_wait3A_445, %dma_wait3A_446] : memref<8x128x32xf32, #tpu.memory_space<vmem>> -> memref<1x128x32xf32, #tpu.memory_space<vmem>>
        %dma_wait3A_448 = tpu.memref_squeeze %dma_wait3A_447 : memref<1x128x32xf32, #tpu.memory_space<vmem>> -> memref<128x32xf32, #tpu.memory_space<vmem>>
        %dma_wait3A_449 = tpu.memref_slice %arg8[%mul3A_443] : memref<10112xi32, #tpu.memory_space<vmem>> -> memref<128xi32, #tpu.memory_space<vmem>>
        %dma_wait3A_450 = arith.constant 0 : i32
        %dma_wait3A_451 = arith.constant 0 : i32
        %dma_wait3A_452 = tpu.memref_slice %arg3[%dma_wait3A_450, %dma_wait3A_451] : memref<10000x32xf32, #tpu.memory_space<hbm>> -> memref<10000x32xf32, #tpu.memory_space<hbm>>
        tpu.wait_indirect_dma semaphore(%arg22 : memref<!tpu.dma_semaphore, #tpu.memory_space<semaphore_mem>>) src(%dma_wait3A_452 : memref<10000x32xf32, #tpu.memory_space<hbm>>) dst(%dma_wait3A_448 : memref<128x32xf32, #tpu.memory_space<vmem>>)
        %mul3A_453 = arith.constant 128 : i32
        %mul3A_454 = arith.muli %add3A_365, %mul3A_453 : i32
        %add3A_455 = arith.addi %mul3A_76, %mul3A_454 : i32
        %mul3A_456 = arith.constant 32 : i32
        %mul3A_457 = arith.muli %select_n3A_71, %mul3A_456 : i32
        %dma_start3A_458 = arith.constant 4 : i32
        %dma_start3A_459 = arith.constant 0 : i32
        %dma_start3A_460 = arith.constant 0 : i32
        %dma_start3A_461 = tpu.memref_slice %arg9[%dma_start3A_458, %dma_start3A_459, %dma_start3A_460] : memref<8x128x32xf32, #tpu.memory_space<vmem>> -> memref<1x128x32xf32, #tpu.memory_space<vmem>>
        %dma_start3A_462 = tpu.memref_squeeze %dma_start3A_461 : memref<1x128x32xf32, #tpu.memory_space<vmem>> -> memref<128x32xf32, #tpu.memory_space<vmem>>
        %dma_start3A_463 = tpu.memref_slice %arg6[%add3A_455, %mul3A_457] : memref<80000x128xf32, #tpu.memory_space<hbm>> -> memref<128x32xf32, #tpu.memory_space<hbm>>
        %dma_start3A_464 = tpu.memref_slice %arg6[%add3A_455, %mul3A_457] : memref<80000x128xf32, #tpu.memory_space<hbm>> -> memref<128x32xf32, #tpu.memory_space<hbm>>
        %dma_start3A_465 = arith.constant 0 : i32
        %dma_start3A_466 = arith.constant 0 : i32
        %dma_start3A_467 = tpu.memref_slice %arg9[%dma_start3A_458, %dma_start3A_465, %dma_start3A_466] : memref<8x128x32xf32, #tpu.memory_space<vmem>> -> memref<1x128x32xf32, #tpu.memory_space<vmem>>
        %dma_start3A_468 = tpu.memref_squeeze %dma_start3A_467 : memref<1x128x32xf32, #tpu.memory_space<vmem>> -> memref<128x32xf32, #tpu.memory_space<vmem>>
        tpu.enqueue_dma source(%dma_start3A_468 : memref<128x32xf32, #tpu.memory_space<vmem>>) target(%dma_start3A_464 : memref<128x32xf32, #tpu.memory_space<hbm>>) target_semaphore(%arg30 : memref<!tpu.dma_semaphore, #tpu.memory_space<semaphore_mem>>)
      } else {
      }
      %add3A_370 = arith.constant 2 : i32
      %add3A_371 = arith.addi %add3A_365, %add3A_370 : i32
      %lt3A_372 = arith.cmpi slt, %add3A_371, %sub3A_47 : i32
      %convert_element_type3A_373 = arith.extui %lt3A_372 : i1 to i32
      %cond3A_374 = arith.constant 0 : i32
      %cond3A_375 = arith.cmpi ne, %convert_element_type3A_373, %cond3A_374 : i32
      scf.if %cond3A_375 {
        %add3A_442 = arith.constant 2 : i32
        %add3A_443 = arith.addi %add3A_365, %add3A_442 : i32
        %mul3A_444 = arith.constant 128 : i32
        %mul3A_445 = arith.muli %add3A_443, %mul3A_444 : i32
        %dma_wait3A_446 = arith.constant 6 : i32
        %dma_wait3A_447 = arith.constant 0 : i32
        %dma_wait3A_448 = arith.constant 0 : i32
        %dma_wait3A_449 = tpu.memref_slice %arg9[%dma_wait3A_446, %dma_wait3A_447, %dma_wait3A_448] : memref<8x128x32xf32, #tpu.memory_space<vmem>> -> memref<1x128x32xf32, #tpu.memory_space<vmem>>
        %dma_wait3A_450 = tpu.memref_squeeze %dma_wait3A_449 : memref<1x128x32xf32, #tpu.memory_space<vmem>> -> memref<128x32xf32, #tpu.memory_space<vmem>>
        %dma_wait3A_451 = tpu.memref_slice %arg7[%mul3A_445] : memref<10112xi32, #tpu.memory_space<vmem>> -> memref<128xi32, #tpu.memory_space<vmem>>
        %dma_wait3A_452 = arith.constant 0 : i32
        %dma_wait3A_453 = arith.constant 0 : i32
        %dma_wait3A_454 = tpu.memref_slice %arg2[%dma_wait3A_452, %dma_wait3A_453] : memref<10000x32xf32, #tpu.memory_space<hbm>> -> memref<10000x32xf32, #tpu.memory_space<hbm>>
        tpu.wait_indirect_dma semaphore(%arg16 : memref<!tpu.dma_semaphore, #tpu.memory_space<semaphore_mem>>) src(%dma_wait3A_454 : memref<10000x32xf32, #tpu.memory_space<hbm>>) dst(%dma_wait3A_450 : memref<128x32xf32, #tpu.memory_space<vmem>>)
        %add3A_455 = arith.constant 2 : i32
        %add3A_456 = arith.addi %add3A_365, %add3A_455 : i32
        %mul3A_457 = arith.constant 128 : i32
        %mul3A_458 = arith.muli %add3A_456, %mul3A_457 : i32
        %dma_start3A_459 = arith.constant 6 : i32
        %dma_start3A_460 = arith.constant 0 : i32
        %dma_start3A_461 = arith.constant 0 : i32
        %dma_start3A_462 = tpu.memref_slice %arg9[%dma_start3A_459, %dma_start3A_460, %dma_start3A_461] : memref<8x128x32xf32, #tpu.memory_space<vmem>> -> memref<1x128x32xf32, #tpu.memory_space<vmem>>
        %dma_start3A_463 = tpu.memref_squeeze %dma_start3A_462 : memref<1x128x32xf32, #tpu.memory_space<vmem>> -> memref<128x32xf32, #tpu.memory_space<vmem>>
        %dma_start3A_464 = tpu.memref_slice %arg8[%mul3A_458] : memref<10112xi32, #tpu.memory_space<vmem>> -> memref<128xi32, #tpu.memory_space<vmem>>
        %dma_start3A_465 = arith.constant 0 : i32
        %dma_start3A_466 = arith.constant 0 : i32
        %dma_start3A_467 = tpu.memref_slice %arg3[%dma_start3A_465, %dma_start3A_466] : memref<10000x32xf32, #tpu.memory_space<hbm>> -> memref<10000x32xf32, #tpu.memory_space<hbm>>
        tpu.enqueue_indirect_dma source(%dma_start3A_467 : memref<10000x32xf32, #tpu.memory_space<hbm>>) target(%dma_start3A_463 : memref<128x32xf32, #tpu.memory_space<vmem>>) offsets(%dma_start3A_464 : memref<128xi32, #tpu.memory_space<vmem>>) semaphore(%arg24 : memref<!tpu.dma_semaphore, #tpu.memory_space<semaphore_mem>>) {add = true}
      } else {
      }
      %add3A_376 = arith.constant 4 : i32
      %add3A_377 = arith.addi %add3A_365, %add3A_376 : i32
      %lt3A_378 = arith.cmpi slt, %add3A_377, %sub3A_47 : i32
      %convert_element_type3A_379 = arith.extui %lt3A_378 : i1 to i32
      %cond3A_380 = arith.constant 0 : i32
      %cond3A_381 = arith.cmpi ne, %convert_element_type3A_379, %cond3A_380 : i32
      scf.if %cond3A_381 {
        %ge3A = arith.constant 4 : i32
        %ge3A_442 = arith.cmpi sge, %add3A_365, %ge3A : i32
        %convert_element_type3A_443 = arith.extui %ge3A_442 : i1 to i32
        %cond3A_444 = arith.constant 0 : i32
        %cond3A_445 = arith.cmpi ne, %convert_element_type3A_443, %cond3A_444 : i32
        scf.if %cond3A_445 {
          %sub3A_459 = arith.constant 4 : i32
          %sub3A_460 = arith.subi %add3A_365, %sub3A_459 : i32
          %mul3A_461 = arith.constant 128 : i32
          %mul3A_462 = arith.muli %sub3A_460, %mul3A_461 : i32
          %add3A_463 = arith.addi %mul3A_76, %mul3A_462 : i32
          %mul3A_464 = arith.constant 32 : i32
          %mul3A_465 = arith.muli %select_n3A_71, %mul3A_464 : i32
          %dma_wait3A_466 = arith.constant 0 : i32
          %dma_wait3A_467 = arith.constant 0 : i32
          %dma_wait3A_468 = arith.constant 0 : i32
          %dma_wait3A_469 = tpu.memref_slice %arg9[%dma_wait3A_466, %dma_wait3A_467, %dma_wait3A_468] : memref<8x128x32xf32, #tpu.memory_space<vmem>> -> memref<1x128x32xf32, #tpu.memory_space<vmem>>
          %dma_wait3A_470 = tpu.memref_squeeze %dma_wait3A_469 : memref<1x128x32xf32, #tpu.memory_space<vmem>> -> memref<128x32xf32, #tpu.memory_space<vmem>>
          %dma_wait3A_471 = tpu.memref_slice %arg6[%add3A_463, %mul3A_465] : memref<80000x128xf32, #tpu.memory_space<hbm>> -> memref<128x32xf32, #tpu.memory_space<hbm>>
          %dma_wait3A_472 = tpu.memref_slice %arg6[%add3A_463, %mul3A_465] : memref<80000x128xf32, #tpu.memory_space<hbm>> -> memref<128x32xf32, #tpu.memory_space<hbm>>
          %dma_wait3A_473 = arith.constant 0 : i32
          %dma_wait3A_474 = arith.constant 0 : i32
          %dma_wait3A_475 = tpu.memref_slice %arg9[%dma_wait3A_466, %dma_wait3A_473, %dma_wait3A_474] : memref<8x128x32xf32, #tpu.memory_space<vmem>> -> memref<1x128x32xf32, #tpu.memory_space<vmem>>
          %dma_wait3A_476 = tpu.memref_squeeze %dma_wait3A_475 : memref<1x128x32xf32, #tpu.memory_space<vmem>> -> memref<128x32xf32, #tpu.memory_space<vmem>>
          tpu.wait_dma2 semaphore(%arg26 : memref<!tpu.dma_semaphore, #tpu.memory_space<semaphore_mem>>) src(%dma_wait3A_476 : memref<128x32xf32, #tpu.memory_space<vmem>>) dst(%dma_wait3A_472 : memref<128x32xf32, #tpu.memory_space<hbm>>)
        } else {
        }
        %add3A_446 = arith.constant 4 : i32
        %add3A_447 = arith.addi %add3A_365, %add3A_446 : i32
        %mul3A_448 = arith.constant 128 : i32
        %mul3A_449 = arith.muli %add3A_447, %mul3A_448 : i32
        %dma_start3A_450 = arith.constant 0 : i32
        %dma_start3A_451 = arith.constant 0 : i32
        %dma_start3A_452 = arith.constant 0 : i32
        %dma_start3A_453 = tpu.memref_slice %arg9[%dma_start3A_450, %dma_start3A_451, %dma_start3A_452] : memref<8x128x32xf32, #tpu.memory_space<vmem>> -> memref<1x128x32xf32, #tpu.memory_space<vmem>>
        %dma_start3A_454 = tpu.memref_squeeze %dma_start3A_453 : memref<1x128x32xf32, #tpu.memory_space<vmem>> -> memref<128x32xf32, #tpu.memory_space<vmem>>
        %dma_start3A_455 = tpu.memref_slice %arg7[%mul3A_449] : memref<10112xi32, #tpu.memory_space<vmem>> -> memref<128xi32, #tpu.memory_space<vmem>>
        %dma_start3A_456 = arith.constant 0 : i32
        %dma_start3A_457 = arith.constant 0 : i32
        %dma_start3A_458 = tpu.memref_slice %arg2[%dma_start3A_456, %dma_start3A_457] : memref<10000x32xf32, #tpu.memory_space<hbm>> -> memref<10000x32xf32, #tpu.memory_space<hbm>>
        tpu.enqueue_indirect_dma source(%dma_start3A_458 : memref<10000x32xf32, #tpu.memory_space<hbm>>) target(%dma_start3A_454 : memref<128x32xf32, #tpu.memory_space<vmem>>) offsets(%dma_start3A_455 : memref<128xi32, #tpu.memory_space<vmem>>) semaphore(%arg10 : memref<!tpu.dma_semaphore, #tpu.memory_space<semaphore_mem>>)
      } else {
      }
      %mul3A_382 = arith.constant 8 : i32
      %mul3A_383 = arith.muli %scan3A_284, %mul3A_382 : i32
      %add3A_384 = arith.constant 5 : i32
      %add3A_385 = arith.addi %mul3A_383, %add3A_384 : i32
      %lt3A_386 = arith.cmpi slt, %add3A_385, %sub3A_47 : i32
      %convert_element_type3A_387 = arith.extui %lt3A_386 : i1 to i32
      %cond3A_388 = arith.constant 0 : i32
      %cond3A_389 = arith.cmpi ne, %convert_element_type3A_387, %cond3A_388 : i32
      scf.if %cond3A_389 {
        %mul3A_442 = arith.constant 128 : i32
        %mul3A_443 = arith.muli %add3A_385, %mul3A_442 : i32
        %dma_wait3A_444 = arith.constant 5 : i32
        %dma_wait3A_445 = arith.constant 0 : i32
        %dma_wait3A_446 = arith.constant 0 : i32
        %dma_wait3A_447 = tpu.memref_slice %arg9[%dma_wait3A_444, %dma_wait3A_445, %dma_wait3A_446] : memref<8x128x32xf32, #tpu.memory_space<vmem>> -> memref<1x128x32xf32, #tpu.memory_space<vmem>>
        %dma_wait3A_448 = tpu.memref_squeeze %dma_wait3A_447 : memref<1x128x32xf32, #tpu.memory_space<vmem>> -> memref<128x32xf32, #tpu.memory_space<vmem>>
        %dma_wait3A_449 = tpu.memref_slice %arg8[%mul3A_443] : memref<10112xi32, #tpu.memory_space<vmem>> -> memref<128xi32, #tpu.memory_space<vmem>>
        %dma_wait3A_450 = arith.constant 0 : i32
        %dma_wait3A_451 = arith.constant 0 : i32
        %dma_wait3A_452 = tpu.memref_slice %arg3[%dma_wait3A_450, %dma_wait3A_451] : memref<10000x32xf32, #tpu.memory_space<hbm>> -> memref<10000x32xf32, #tpu.memory_space<hbm>>
        tpu.wait_indirect_dma semaphore(%arg23 : memref<!tpu.dma_semaphore, #tpu.memory_space<semaphore_mem>>) src(%dma_wait3A_452 : memref<10000x32xf32, #tpu.memory_space<hbm>>) dst(%dma_wait3A_448 : memref<128x32xf32, #tpu.memory_space<vmem>>)
        %mul3A_453 = arith.constant 128 : i32
        %mul3A_454 = arith.muli %add3A_385, %mul3A_453 : i32
        %add3A_455 = arith.addi %mul3A_76, %mul3A_454 : i32
        %mul3A_456 = arith.constant 32 : i32
        %mul3A_457 = arith.muli %select_n3A_71, %mul3A_456 : i32
        %dma_start3A_458 = arith.constant 5 : i32
        %dma_start3A_459 = arith.constant 0 : i32
        %dma_start3A_460 = arith.constant 0 : i32
        %dma_start3A_461 = tpu.memref_slice %arg9[%dma_start3A_458, %dma_start3A_459, %dma_start3A_460] : memref<8x128x32xf32, #tpu.memory_space<vmem>> -> memref<1x128x32xf32, #tpu.memory_space<vmem>>
        %dma_start3A_462 = tpu.memref_squeeze %dma_start3A_461 : memref<1x128x32xf32, #tpu.memory_space<vmem>> -> memref<128x32xf32, #tpu.memory_space<vmem>>
        %dma_start3A_463 = tpu.memref_slice %arg6[%add3A_455, %mul3A_457] : memref<80000x128xf32, #tpu.memory_space<hbm>> -> memref<128x32xf32, #tpu.memory_space<hbm>>
        %dma_start3A_464 = tpu.memref_slice %arg6[%add3A_455, %mul3A_457] : memref<80000x128xf32, #tpu.memory_space<hbm>> -> memref<128x32xf32, #tpu.memory_space<hbm>>
        %dma_start3A_465 = arith.constant 0 : i32
        %dma_start3A_466 = arith.constant 0 : i32
        %dma_start3A_467 = tpu.memref_slice %arg9[%dma_start3A_458, %dma_start3A_465, %dma_start3A_466] : memref<8x128x32xf32, #tpu.memory_space<vmem>> -> memref<1x128x32xf32, #tpu.memory_space<vmem>>
        %dma_start3A_468 = tpu.memref_squeeze %dma_start3A_467 : memref<1x128x32xf32, #tpu.memory_space<vmem>> -> memref<128x32xf32, #tpu.memory_space<vmem>>
        tpu.enqueue_dma source(%dma_start3A_468 : memref<128x32xf32, #tpu.memory_space<vmem>>) target(%dma_start3A_464 : memref<128x32xf32, #tpu.memory_space<hbm>>) target_semaphore(%arg31 : memref<!tpu.dma_semaphore, #tpu.memory_space<semaphore_mem>>)
      } else {
      }
      %add3A_390 = arith.constant 2 : i32
      %add3A_391 = arith.addi %add3A_385, %add3A_390 : i32
      %lt3A_392 = arith.cmpi slt, %add3A_391, %sub3A_47 : i32
      %convert_element_type3A_393 = arith.extui %lt3A_392 : i1 to i32
      %cond3A_394 = arith.constant 0 : i32
      %cond3A_395 = arith.cmpi ne, %convert_element_type3A_393, %cond3A_394 : i32
      scf.if %cond3A_395 {
        %add3A_442 = arith.constant 2 : i32
        %add3A_443 = arith.addi %add3A_385, %add3A_442 : i32
        %mul3A_444 = arith.constant 128 : i32
        %mul3A_445 = arith.muli %add3A_443, %mul3A_444 : i32
        %dma_wait3A_446 = arith.constant 7 : i32
        %dma_wait3A_447 = arith.constant 0 : i32
        %dma_wait3A_448 = arith.constant 0 : i32
        %dma_wait3A_449 = tpu.memref_slice %arg9[%dma_wait3A_446, %dma_wait3A_447, %dma_wait3A_448] : memref<8x128x32xf32, #tpu.memory_space<vmem>> -> memref<1x128x32xf32, #tpu.memory_space<vmem>>
        %dma_wait3A_450 = tpu.memref_squeeze %dma_wait3A_449 : memref<1x128x32xf32, #tpu.memory_space<vmem>> -> memref<128x32xf32, #tpu.memory_space<vmem>>
        %dma_wait3A_451 = tpu.memref_slice %arg7[%mul3A_445] : memref<10112xi32, #tpu.memory_space<vmem>> -> memref<128xi32, #tpu.memory_space<vmem>>
        %dma_wait3A_452 = arith.constant 0 : i32
        %dma_wait3A_453 = arith.constant 0 : i32
        %dma_wait3A_454 = tpu.memref_slice %arg2[%dma_wait3A_452, %dma_wait3A_453] : memref<10000x32xf32, #tpu.memory_space<hbm>> -> memref<10000x32xf32, #tpu.memory_space<hbm>>
        tpu.wait_indirect_dma semaphore(%arg17 : memref<!tpu.dma_semaphore, #tpu.memory_space<semaphore_mem>>) src(%dma_wait3A_454 : memref<10000x32xf32, #tpu.memory_space<hbm>>) dst(%dma_wait3A_450 : memref<128x32xf32, #tpu.memory_space<vmem>>)
        %add3A_455 = arith.constant 2 : i32
        %add3A_456 = arith.addi %add3A_385, %add3A_455 : i32
        %mul3A_457 = arith.constant 128 : i32
        %mul3A_458 = arith.muli %add3A_456, %mul3A_457 : i32
        %dma_start3A_459 = arith.constant 7 : i32
        %dma_start3A_460 = arith.constant 0 : i32
        %dma_start3A_461 = arith.constant 0 : i32
        %dma_start3A_462 = tpu.memref_slice %arg9[%dma_start3A_459, %dma_start3A_460, %dma_start3A_461] : memref<8x128x32xf32, #tpu.memory_space<vmem>> -> memref<1x128x32xf32, #tpu.memory_space<vmem>>
        %dma_start3A_463 = tpu.memref_squeeze %dma_start3A_462 : memref<1x128x32xf32, #tpu.memory_space<vmem>> -> memref<128x32xf32, #tpu.memory_space<vmem>>
        %dma_start3A_464 = tpu.memref_slice %arg8[%mul3A_458] : memref<10112xi32, #tpu.memory_space<vmem>> -> memref<128xi32, #tpu.memory_space<vmem>>
        %dma_start3A_465 = arith.constant 0 : i32
        %dma_start3A_466 = arith.constant 0 : i32
        %dma_start3A_467 = tpu.memref_slice %arg3[%dma_start3A_465, %dma_start3A_466] : memref<10000x32xf32, #tpu.memory_space<hbm>> -> memref<10000x32xf32, #tpu.memory_space<hbm>>
        tpu.enqueue_indirect_dma source(%dma_start3A_467 : memref<10000x32xf32, #tpu.memory_space<hbm>>) target(%dma_start3A_463 : memref<128x32xf32, #tpu.memory_space<vmem>>) offsets(%dma_start3A_464 : memref<128xi32, #tpu.memory_space<vmem>>) semaphore(%arg25 : memref<!tpu.dma_semaphore, #tpu.memory_space<semaphore_mem>>) {add = true}
      } else {
      }
      %add3A_396 = arith.constant 4 : i32
      %add3A_397 = arith.addi %add3A_385, %add3A_396 : i32
      %lt3A_398 = arith.cmpi slt, %add3A_397, %sub3A_47 : i32
      %convert_element_type3A_399 = arith.extui %lt3A_398 : i1 to i32
      %cond3A_400 = arith.constant 0 : i32
      %cond3A_401 = arith.cmpi ne, %convert_element_type3A_399, %cond3A_400 : i32
      scf.if %cond3A_401 {
        %ge3A = arith.constant 4 : i32
        %ge3A_442 = arith.cmpi sge, %add3A_385, %ge3A : i32
        %convert_element_type3A_443 = arith.extui %ge3A_442 : i1 to i32
        %cond3A_444 = arith.constant 0 : i32
        %cond3A_445 = arith.cmpi ne, %convert_element_type3A_443, %cond3A_444 : i32
        scf.if %cond3A_445 {
          %sub3A_459 = arith.constant 4 : i32
          %sub3A_460 = arith.subi %add3A_385, %sub3A_459 : i32
          %mul3A_461 = arith.constant 128 : i32
          %mul3A_462 = arith.muli %sub3A_460, %mul3A_461 : i32
          %add3A_463 = arith.addi %mul3A_76, %mul3A_462 : i32
          %mul3A_464 = arith.constant 32 : i32
          %mul3A_465 = arith.muli %select_n3A_71, %mul3A_464 : i32
          %dma_wait3A_466 = arith.constant 1 : i32
          %dma_wait3A_467 = arith.constant 0 : i32
          %dma_wait3A_468 = arith.constant 0 : i32
          %dma_wait3A_469 = tpu.memref_slice %arg9[%dma_wait3A_466, %dma_wait3A_467, %dma_wait3A_468] : memref<8x128x32xf32, #tpu.memory_space<vmem>> -> memref<1x128x32xf32, #tpu.memory_space<vmem>>
          %dma_wait3A_470 = tpu.memref_squeeze %dma_wait3A_469 : memref<1x128x32xf32, #tpu.memory_space<vmem>> -> memref<128x32xf32, #tpu.memory_space<vmem>>
          %dma_wait3A_471 = tpu.memref_slice %arg6[%add3A_463, %mul3A_465] : memref<80000x128xf32, #tpu.memory_space<hbm>> -> memref<128x32xf32, #tpu.memory_space<hbm>>
          %dma_wait3A_472 = tpu.memref_slice %arg6[%add3A_463, %mul3A_465] : memref<80000x128xf32, #tpu.memory_space<hbm>> -> memref<128x32xf32, #tpu.memory_space<hbm>>
          %dma_wait3A_473 = arith.constant 0 : i32
          %dma_wait3A_474 = arith.constant 0 : i32
          %dma_wait3A_475 = tpu.memref_slice %arg9[%dma_wait3A_466, %dma_wait3A_473, %dma_wait3A_474] : memref<8x128x32xf32, #tpu.memory_space<vmem>> -> memref<1x128x32xf32, #tpu.memory_space<vmem>>
          %dma_wait3A_476 = tpu.memref_squeeze %dma_wait3A_475 : memref<1x128x32xf32, #tpu.memory_space<vmem>> -> memref<128x32xf32, #tpu.memory_space<vmem>>
          tpu.wait_dma2 semaphore(%arg27 : memref<!tpu.dma_semaphore, #tpu.memory_space<semaphore_mem>>) src(%dma_wait3A_476 : memref<128x32xf32, #tpu.memory_space<vmem>>) dst(%dma_wait3A_472 : memref<128x32xf32, #tpu.memory_space<hbm>>)
        } else {
        }
        %add3A_446 = arith.constant 4 : i32
        %add3A_447 = arith.addi %add3A_385, %add3A_446 : i32
        %mul3A_448 = arith.constant 128 : i32
        %mul3A_449 = arith.muli %add3A_447, %mul3A_448 : i32
        %dma_start3A_450 = arith.constant 1 : i32
        %dma_start3A_451 = arith.constant 0 : i32
        %dma_start3A_452 = arith.constant 0 : i32
        %dma_start3A_453 = tpu.memref_slice %arg9[%dma_start3A_450, %dma_start3A_451, %dma_start3A_452] : memref<8x128x32xf32, #tpu.memory_space<vmem>> -> memref<1x128x32xf32, #tpu.memory_space<vmem>>
        %dma_start3A_454 = tpu.memref_squeeze %dma_start3A_453 : memref<1x128x32xf32, #tpu.memory_space<vmem>> -> memref<128x32xf32, #tpu.memory_space<vmem>>
        %dma_start3A_455 = tpu.memref_slice %arg7[%mul3A_449] : memref<10112xi32, #tpu.memory_space<vmem>> -> memref<128xi32, #tpu.memory_space<vmem>>
        %dma_start3A_456 = arith.constant 0 : i32
        %dma_start3A_457 = arith.constant 0 : i32
        %dma_start3A_458 = tpu.memref_slice %arg2[%dma_start3A_456, %dma_start3A_457] : memref<10000x32xf32, #tpu.memory_space<hbm>> -> memref<10000x32xf32, #tpu.memory_space<hbm>>
        tpu.enqueue_indirect_dma source(%dma_start3A_458 : memref<10000x32xf32, #tpu.memory_space<hbm>>) target(%dma_start3A_454 : memref<128x32xf32, #tpu.memory_space<vmem>>) offsets(%dma_start3A_455 : memref<128xi32, #tpu.memory_space<vmem>>) semaphore(%arg11 : memref<!tpu.dma_semaphore, #tpu.memory_space<semaphore_mem>>)
      } else {
      }
      %mul3A_402 = arith.constant 8 : i32
      %mul3A_403 = arith.muli %scan3A_284, %mul3A_402 : i32
      %add3A_404 = arith.constant 6 : i32
      %add3A_405 = arith.addi %mul3A_403, %add3A_404 : i32
      %lt3A_406 = arith.cmpi slt, %add3A_405, %sub3A_47 : i32
      %convert_element_type3A_407 = arith.extui %lt3A_406 : i1 to i32
      %cond3A_408 = arith.constant 0 : i32
      %cond3A_409 = arith.cmpi ne, %convert_element_type3A_407, %cond3A_408 : i32
      scf.if %cond3A_409 {
        %mul3A_442 = arith.constant 128 : i32
        %mul3A_443 = arith.muli %add3A_405, %mul3A_442 : i32
        %dma_wait3A_444 = arith.constant 6 : i32
        %dma_wait3A_445 = arith.constant 0 : i32
        %dma_wait3A_446 = arith.constant 0 : i32
        %dma_wait3A_447 = tpu.memref_slice %arg9[%dma_wait3A_444, %dma_wait3A_445, %dma_wait3A_446] : memref<8x128x32xf32, #tpu.memory_space<vmem>> -> memref<1x128x32xf32, #tpu.memory_space<vmem>>
        %dma_wait3A_448 = tpu.memref_squeeze %dma_wait3A_447 : memref<1x128x32xf32, #tpu.memory_space<vmem>> -> memref<128x32xf32, #tpu.memory_space<vmem>>
        %dma_wait3A_449 = tpu.memref_slice %arg8[%mul3A_443] : memref<10112xi32, #tpu.memory_space<vmem>> -> memref<128xi32, #tpu.memory_space<vmem>>
        %dma_wait3A_450 = arith.constant 0 : i32
        %dma_wait3A_451 = arith.constant 0 : i32
        %dma_wait3A_452 = tpu.memref_slice %arg3[%dma_wait3A_450, %dma_wait3A_451] : memref<10000x32xf32, #tpu.memory_space<hbm>> -> memref<10000x32xf32, #tpu.memory_space<hbm>>
        tpu.wait_indirect_dma semaphore(%arg24 : memref<!tpu.dma_semaphore, #tpu.memory_space<semaphore_mem>>) src(%dma_wait3A_452 : memref<10000x32xf32, #tpu.memory_space<hbm>>) dst(%dma_wait3A_448 : memref<128x32xf32, #tpu.memory_space<vmem>>)
        %mul3A_453 = arith.constant 128 : i32
        %mul3A_454 = arith.muli %add3A_405, %mul3A_453 : i32
        %add3A_455 = arith.addi %mul3A_76, %mul3A_454 : i32
        %mul3A_456 = arith.constant 32 : i32
        %mul3A_457 = arith.muli %select_n3A_71, %mul3A_456 : i32
        %dma_start3A_458 = arith.constant 6 : i32
        %dma_start3A_459 = arith.constant 0 : i32
        %dma_start3A_460 = arith.constant 0 : i32
        %dma_start3A_461 = tpu.memref_slice %arg9[%dma_start3A_458, %dma_start3A_459, %dma_start3A_460] : memref<8x128x32xf32, #tpu.memory_space<vmem>> -> memref<1x128x32xf32, #tpu.memory_space<vmem>>
        %dma_start3A_462 = tpu.memref_squeeze %dma_start3A_461 : memref<1x128x32xf32, #tpu.memory_space<vmem>> -> memref<128x32xf32, #tpu.memory_space<vmem>>
        %dma_start3A_463 = tpu.memref_slice %arg6[%add3A_455, %mul3A_457] : memref<80000x128xf32, #tpu.memory_space<hbm>> -> memref<128x32xf32, #tpu.memory_space<hbm>>
        %dma_start3A_464 = tpu.memref_slice %arg6[%add3A_455, %mul3A_457] : memref<80000x128xf32, #tpu.memory_space<hbm>> -> memref<128x32xf32, #tpu.memory_space<hbm>>
        %dma_start3A_465 = arith.constant 0 : i32
        %dma_start3A_466 = arith.constant 0 : i32
        %dma_start3A_467 = tpu.memref_slice %arg9[%dma_start3A_458, %dma_start3A_465, %dma_start3A_466] : memref<8x128x32xf32, #tpu.memory_space<vmem>> -> memref<1x128x32xf32, #tpu.memory_space<vmem>>
        %dma_start3A_468 = tpu.memref_squeeze %dma_start3A_467 : memref<1x128x32xf32, #tpu.memory_space<vmem>> -> memref<128x32xf32, #tpu.memory_space<vmem>>
        tpu.enqueue_dma source(%dma_start3A_468 : memref<128x32xf32, #tpu.memory_space<vmem>>) target(%dma_start3A_464 : memref<128x32xf32, #tpu.memory_space<hbm>>) target_semaphore(%arg32 : memref<!tpu.dma_semaphore, #tpu.memory_space<semaphore_mem>>)
      } else {
      }
      %add3A_410 = arith.constant 2 : i32
      %add3A_411 = arith.addi %add3A_405, %add3A_410 : i32
      %lt3A_412 = arith.cmpi slt, %add3A_411, %sub3A_47 : i32
      %convert_element_type3A_413 = arith.extui %lt3A_412 : i1 to i32
      %cond3A_414 = arith.constant 0 : i32
      %cond3A_415 = arith.cmpi ne, %convert_element_type3A_413, %cond3A_414 : i32
      scf.if %cond3A_415 {
        %add3A_442 = arith.constant 2 : i32
        %add3A_443 = arith.addi %add3A_405, %add3A_442 : i32
        %mul3A_444 = arith.constant 128 : i32
        %mul3A_445 = arith.muli %add3A_443, %mul3A_444 : i32
        %dma_wait3A_446 = arith.constant 0 : i32
        %dma_wait3A_447 = arith.constant 0 : i32
        %dma_wait3A_448 = arith.constant 0 : i32
        %dma_wait3A_449 = tpu.memref_slice %arg9[%dma_wait3A_446, %dma_wait3A_447, %dma_wait3A_448] : memref<8x128x32xf32, #tpu.memory_space<vmem>> -> memref<1x128x32xf32, #tpu.memory_space<vmem>>
        %dma_wait3A_450 = tpu.memref_squeeze %dma_wait3A_449 : memref<1x128x32xf32, #tpu.memory_space<vmem>> -> memref<128x32xf32, #tpu.memory_space<vmem>>
        %dma_wait3A_451 = tpu.memref_slice %arg7[%mul3A_445] : memref<10112xi32, #tpu.memory_space<vmem>> -> memref<128xi32, #tpu.memory_space<vmem>>
        %dma_wait3A_452 = arith.constant 0 : i32
        %dma_wait3A_453 = arith.constant 0 : i32
        %dma_wait3A_454 = tpu.memref_slice %arg2[%dma_wait3A_452, %dma_wait3A_453] : memref<10000x32xf32, #tpu.memory_space<hbm>> -> memref<10000x32xf32, #tpu.memory_space<hbm>>
        tpu.wait_indirect_dma semaphore(%arg10 : memref<!tpu.dma_semaphore, #tpu.memory_space<semaphore_mem>>) src(%dma_wait3A_454 : memref<10000x32xf32, #tpu.memory_space<hbm>>) dst(%dma_wait3A_450 : memref<128x32xf32, #tpu.memory_space<vmem>>)
        %add3A_455 = arith.constant 2 : i32
        %add3A_456 = arith.addi %add3A_405, %add3A_455 : i32
        %mul3A_457 = arith.constant 128 : i32
        %mul3A_458 = arith.muli %add3A_456, %mul3A_457 : i32
        %dma_start3A_459 = arith.constant 0 : i32
        %dma_start3A_460 = arith.constant 0 : i32
        %dma_start3A_461 = arith.constant 0 : i32
        %dma_start3A_462 = tpu.memref_slice %arg9[%dma_start3A_459, %dma_start3A_460, %dma_start3A_461] : memref<8x128x32xf32, #tpu.memory_space<vmem>> -> memref<1x128x32xf32, #tpu.memory_space<vmem>>
        %dma_start3A_463 = tpu.memref_squeeze %dma_start3A_462 : memref<1x128x32xf32, #tpu.memory_space<vmem>> -> memref<128x32xf32, #tpu.memory_space<vmem>>
        %dma_start3A_464 = tpu.memref_slice %arg8[%mul3A_458] : memref<10112xi32, #tpu.memory_space<vmem>> -> memref<128xi32, #tpu.memory_space<vmem>>
        %dma_start3A_465 = arith.constant 0 : i32
        %dma_start3A_466 = arith.constant 0 : i32
        %dma_start3A_467 = tpu.memref_slice %arg3[%dma_start3A_465, %dma_start3A_466] : memref<10000x32xf32, #tpu.memory_space<hbm>> -> memref<10000x32xf32, #tpu.memory_space<hbm>>
        tpu.enqueue_indirect_dma source(%dma_start3A_467 : memref<10000x32xf32, #tpu.memory_space<hbm>>) target(%dma_start3A_463 : memref<128x32xf32, #tpu.memory_space<vmem>>) offsets(%dma_start3A_464 : memref<128xi32, #tpu.memory_space<vmem>>) semaphore(%arg18 : memref<!tpu.dma_semaphore, #tpu.memory_space<semaphore_mem>>) {add = true}
      } else {
      }
      %add3A_416 = arith.constant 4 : i32
      %add3A_417 = arith.addi %add3A_405, %add3A_416 : i32
      %lt3A_418 = arith.cmpi slt, %add3A_417, %sub3A_47 : i32
      %convert_element_type3A_419 = arith.extui %lt3A_418 : i1 to i32
      %cond3A_420 = arith.constant 0 : i32
      %cond3A_421 = arith.cmpi ne, %convert_element_type3A_419, %cond3A_420 : i32
      scf.if %cond3A_421 {
        %ge3A = arith.constant 4 : i32
        %ge3A_442 = arith.cmpi sge, %add3A_405, %ge3A : i32
        %convert_element_type3A_443 = arith.extui %ge3A_442 : i1 to i32
        %cond3A_444 = arith.constant 0 : i32
        %cond3A_445 = arith.cmpi ne, %convert_element_type3A_443, %cond3A_444 : i32
        scf.if %cond3A_445 {
          %sub3A_459 = arith.constant 4 : i32
          %sub3A_460 = arith.subi %add3A_405, %sub3A_459 : i32
          %mul3A_461 = arith.constant 128 : i32
          %mul3A_462 = arith.muli %sub3A_460, %mul3A_461 : i32
          %add3A_463 = arith.addi %mul3A_76, %mul3A_462 : i32
          %mul3A_464 = arith.constant 32 : i32
          %mul3A_465 = arith.muli %select_n3A_71, %mul3A_464 : i32
          %dma_wait3A_466 = arith.constant 2 : i32
          %dma_wait3A_467 = arith.constant 0 : i32
          %dma_wait3A_468 = arith.constant 0 : i32
          %dma_wait3A_469 = tpu.memref_slice %arg9[%dma_wait3A_466, %dma_wait3A_467, %dma_wait3A_468] : memref<8x128x32xf32, #tpu.memory_space<vmem>> -> memref<1x128x32xf32, #tpu.memory_space<vmem>>
          %dma_wait3A_470 = tpu.memref_squeeze %dma_wait3A_469 : memref<1x128x32xf32, #tpu.memory_space<vmem>> -> memref<128x32xf32, #tpu.memory_space<vmem>>
          %dma_wait3A_471 = tpu.memref_slice %arg6[%add3A_463, %mul3A_465] : memref<80000x128xf32, #tpu.memory_space<hbm>> -> memref<128x32xf32, #tpu.memory_space<hbm>>
          %dma_wait3A_472 = tpu.memref_slice %arg6[%add3A_463, %mul3A_465] : memref<80000x128xf32, #tpu.memory_space<hbm>> -> memref<128x32xf32, #tpu.memory_space<hbm>>
          %dma_wait3A_473 = arith.constant 0 : i32
          %dma_wait3A_474 = arith.constant 0 : i32
          %dma_wait3A_475 = tpu.memref_slice %arg9[%dma_wait3A_466, %dma_wait3A_473, %dma_wait3A_474] : memref<8x128x32xf32, #tpu.memory_space<vmem>> -> memref<1x128x32xf32, #tpu.memory_space<vmem>>
          %dma_wait3A_476 = tpu.memref_squeeze %dma_wait3A_475 : memref<1x128x32xf32, #tpu.memory_space<vmem>> -> memref<128x32xf32, #tpu.memory_space<vmem>>
          tpu.wait_dma2 semaphore(%arg28 : memref<!tpu.dma_semaphore, #tpu.memory_space<semaphore_mem>>) src(%dma_wait3A_476 : memref<128x32xf32, #tpu.memory_space<vmem>>) dst(%dma_wait3A_472 : memref<128x32xf32, #tpu.memory_space<hbm>>)
        } else {
        }
        %add3A_446 = arith.constant 4 : i32
        %add3A_447 = arith.addi %add3A_405, %add3A_446 : i32
        %mul3A_448 = arith.constant 128 : i32
        %mul3A_449 = arith.muli %add3A_447, %mul3A_448 : i32
        %dma_start3A_450 = arith.constant 2 : i32
        %dma_start3A_451 = arith.constant 0 : i32
        %dma_start3A_452 = arith.constant 0 : i32
        %dma_start3A_453 = tpu.memref_slice %arg9[%dma_start3A_450, %dma_start3A_451, %dma_start3A_452] : memref<8x128x32xf32, #tpu.memory_space<vmem>> -> memref<1x128x32xf32, #tpu.memory_space<vmem>>
        %dma_start3A_454 = tpu.memref_squeeze %dma_start3A_453 : memref<1x128x32xf32, #tpu.memory_space<vmem>> -> memref<128x32xf32, #tpu.memory_space<vmem>>
        %dma_start3A_455 = tpu.memref_slice %arg7[%mul3A_449] : memref<10112xi32, #tpu.memory_space<vmem>> -> memref<128xi32, #tpu.memory_space<vmem>>
        %dma_start3A_456 = arith.constant 0 : i32
        %dma_start3A_457 = arith.constant 0 : i32
        %dma_start3A_458 = tpu.memref_slice %arg2[%dma_start3A_456, %dma_start3A_457] : memref<10000x32xf32, #tpu.memory_space<hbm>> -> memref<10000x32xf32, #tpu.memory_space<hbm>>
        tpu.enqueue_indirect_dma source(%dma_start3A_458 : memref<10000x32xf32, #tpu.memory_space<hbm>>) target(%dma_start3A_454 : memref<128x32xf32, #tpu.memory_space<vmem>>) offsets(%dma_start3A_455 : memref<128xi32, #tpu.memory_space<vmem>>) semaphore(%arg12 : memref<!tpu.dma_semaphore, #tpu.memory_space<semaphore_mem>>)
      } else {
      }
      %mul3A_422 = arith.constant 8 : i32
      %mul3A_423 = arith.muli %scan3A_284, %mul3A_422 : i32
      %add3A_424 = arith.constant 7 : i32
      %add3A_425 = arith.addi %mul3A_423, %add3A_424 : i32
      %lt3A_426 = arith.cmpi slt, %add3A_425, %sub3A_47 : i32
      %convert_element_type3A_427 = arith.extui %lt3A_426 : i1 to i32
      %cond3A_428 = arith.constant 0 : i32
      %cond3A_429 = arith.cmpi ne, %convert_element_type3A_427, %cond3A_428 : i32
      scf.if %cond3A_429 {
        %mul3A_442 = arith.constant 128 : i32
        %mul3A_443 = arith.muli %add3A_425, %mul3A_442 : i32
        %dma_wait3A_444 = arith.constant 7 : i32
        %dma_wait3A_445 = arith.constant 0 : i32
        %dma_wait3A_446 = arith.constant 0 : i32
        %dma_wait3A_447 = tpu.memref_slice %arg9[%dma_wait3A_444, %dma_wait3A_445, %dma_wait3A_446] : memref<8x128x32xf32, #tpu.memory_space<vmem>> -> memref<1x128x32xf32, #tpu.memory_space<vmem>>
        %dma_wait3A_448 = tpu.memref_squeeze %dma_wait3A_447 : memref<1x128x32xf32, #tpu.memory_space<vmem>> -> memref<128x32xf32, #tpu.memory_space<vmem>>
        %dma_wait3A_449 = tpu.memref_slice %arg8[%mul3A_443] : memref<10112xi32, #tpu.memory_space<vmem>> -> memref<128xi32, #tpu.memory_space<vmem>>
        %dma_wait3A_450 = arith.constant 0 : i32
        %dma_wait3A_451 = arith.constant 0 : i32
        %dma_wait3A_452 = tpu.memref_slice %arg3[%dma_wait3A_450, %dma_wait3A_451] : memref<10000x32xf32, #tpu.memory_space<hbm>> -> memref<10000x32xf32, #tpu.memory_space<hbm>>
        tpu.wait_indirect_dma semaphore(%arg25 : memref<!tpu.dma_semaphore, #tpu.memory_space<semaphore_mem>>) src(%dma_wait3A_452 : memref<10000x32xf32, #tpu.memory_space<hbm>>) dst(%dma_wait3A_448 : memref<128x32xf32, #tpu.memory_space<vmem>>)
        %mul3A_453 = arith.constant 128 : i32
        %mul3A_454 = arith.muli %add3A_425, %mul3A_453 : i32
        %add3A_455 = arith.addi %mul3A_76, %mul3A_454 : i32
        %mul3A_456 = arith.constant 32 : i32
        %mul3A_457 = arith.muli %select_n3A_71, %mul3A_456 : i32
        %dma_start3A_458 = arith.constant 7 : i32
        %dma_start3A_459 = arith.constant 0 : i32
        %dma_start3A_460 = arith.constant 0 : i32
        %dma_start3A_461 = tpu.memref_slice %arg9[%dma_start3A_458, %dma_start3A_459, %dma_start3A_460] : memref<8x128x32xf32, #tpu.memory_space<vmem>> -> memref<1x128x32xf32, #tpu.memory_space<vmem>>
        %dma_start3A_462 = tpu.memref_squeeze %dma_start3A_461 : memref<1x128x32xf32, #tpu.memory_space<vmem>> -> memref<128x32xf32, #tpu.memory_space<vmem>>
        %dma_start3A_463 = tpu.memref_slice %arg6[%add3A_455, %mul3A_457] : memref<80000x128xf32, #tpu.memory_space<hbm>> -> memref<128x32xf32, #tpu.memory_space<hbm>>
        %dma_start3A_464 = tpu.memref_slice %arg6[%add3A_455, %mul3A_457] : memref<80000x128xf32, #tpu.memory_space<hbm>> -> memref<128x32xf32, #tpu.memory_space<hbm>>
        %dma_start3A_465 = arith.constant 0 : i32
        %dma_start3A_466 = arith.constant 0 : i32
        %dma_start3A_467 = tpu.memref_slice %arg9[%dma_start3A_458, %dma_start3A_465, %dma_start3A_466] : memref<8x128x32xf32, #tpu.memory_space<vmem>> -> memref<1x128x32xf32, #tpu.memory_space<vmem>>
        %dma_start3A_468 = tpu.memref_squeeze %dma_start3A_467 : memref<1x128x32xf32, #tpu.memory_space<vmem>> -> memref<128x32xf32, #tpu.memory_space<vmem>>
        tpu.enqueue_dma source(%dma_start3A_468 : memref<128x32xf32, #tpu.memory_space<vmem>>) target(%dma_start3A_464 : memref<128x32xf32, #tpu.memory_space<hbm>>) target_semaphore(%arg33 : memref<!tpu.dma_semaphore, #tpu.memory_space<semaphore_mem>>)
      } else {
      }
      %add3A_430 = arith.constant 2 : i32
      %add3A_431 = arith.addi %add3A_425, %add3A_430 : i32
      %lt3A_432 = arith.cmpi slt, %add3A_431, %sub3A_47 : i32
      %convert_element_type3A_433 = arith.extui %lt3A_432 : i1 to i32
      %cond3A_434 = arith.constant 0 : i32
      %cond3A_435 = arith.cmpi ne, %convert_element_type3A_433, %cond3A_434 : i32
      scf.if %cond3A_435 {
        %add3A_442 = arith.constant 2 : i32
        %add3A_443 = arith.addi %add3A_425, %add3A_442 : i32
        %mul3A_444 = arith.constant 128 : i32
        %mul3A_445 = arith.muli %add3A_443, %mul3A_444 : i32
        %dma_wait3A_446 = arith.constant 1 : i32
        %dma_wait3A_447 = arith.constant 0 : i32
        %dma_wait3A_448 = arith.constant 0 : i32
        %dma_wait3A_449 = tpu.memref_slice %arg9[%dma_wait3A_446, %dma_wait3A_447, %dma_wait3A_448] : memref<8x128x32xf32, #tpu.memory_space<vmem>> -> memref<1x128x32xf32, #tpu.memory_space<vmem>>
        %dma_wait3A_450 = tpu.memref_squeeze %dma_wait3A_449 : memref<1x128x32xf32, #tpu.memory_space<vmem>> -> memref<128x32xf32, #tpu.memory_space<vmem>>
        %dma_wait3A_451 = tpu.memref_slice %arg7[%mul3A_445] : memref<10112xi32, #tpu.memory_space<vmem>> -> memref<128xi32, #tpu.memory_space<vmem>>
        %dma_wait3A_452 = arith.constant 0 : i32
        %dma_wait3A_453 = arith.constant 0 : i32
        %dma_wait3A_454 = tpu.memref_slice %arg2[%dma_wait3A_452, %dma_wait3A_453] : memref<10000x32xf32, #tpu.memory_space<hbm>> -> memref<10000x32xf32, #tpu.memory_space<hbm>>
        tpu.wait_indirect_dma semaphore(%arg11 : memref<!tpu.dma_semaphore, #tpu.memory_space<semaphore_mem>>) src(%dma_wait3A_454 : memref<10000x32xf32, #tpu.memory_space<hbm>>) dst(%dma_wait3A_450 : memref<128x32xf32, #tpu.memory_space<vmem>>)
        %add3A_455 = arith.constant 2 : i32
        %add3A_456 = arith.addi %add3A_425, %add3A_455 : i32
        %mul3A_457 = arith.constant 128 : i32
        %mul3A_458 = arith.muli %add3A_456, %mul3A_457 : i32
        %dma_start3A_459 = arith.constant 1 : i32
        %dma_start3A_460 = arith.constant 0 : i32
        %dma_start3A_461 = arith.constant 0 : i32
        %dma_start3A_462 = tpu.memref_slice %arg9[%dma_start3A_459, %dma_start3A_460, %dma_start3A_461] : memref<8x128x32xf32, #tpu.memory_space<vmem>> -> memref<1x128x32xf32, #tpu.memory_space<vmem>>
        %dma_start3A_463 = tpu.memref_squeeze %dma_start3A_462 : memref<1x128x32xf32, #tpu.memory_space<vmem>> -> memref<128x32xf32, #tpu.memory_space<vmem>>
        %dma_start3A_464 = tpu.memref_slice %arg8[%mul3A_458] : memref<10112xi32, #tpu.memory_space<vmem>> -> memref<128xi32, #tpu.memory_space<vmem>>
        %dma_start3A_465 = arith.constant 0 : i32
        %dma_start3A_466 = arith.constant 0 : i32
        %dma_start3A_467 = tpu.memref_slice %arg3[%dma_start3A_465, %dma_start3A_466] : memref<10000x32xf32, #tpu.memory_space<hbm>> -> memref<10000x32xf32, #tpu.memory_space<hbm>>
        tpu.enqueue_indirect_dma source(%dma_start3A_467 : memref<10000x32xf32, #tpu.memory_space<hbm>>) target(%dma_start3A_463 : memref<128x32xf32, #tpu.memory_space<vmem>>) offsets(%dma_start3A_464 : memref<128xi32, #tpu.memory_space<vmem>>) semaphore(%arg19 : memref<!tpu.dma_semaphore, #tpu.memory_space<semaphore_mem>>) {add = true}
      } else {
      }
      %add3A_436 = arith.constant 4 : i32
      %add3A_437 = arith.addi %add3A_425, %add3A_436 : i32
      %lt3A_438 = arith.cmpi slt, %add3A_437, %sub3A_47 : i32
      %convert_element_type3A_439 = arith.extui %lt3A_438 : i1 to i32
      %cond3A_440 = arith.constant 0 : i32
      %cond3A_441 = arith.cmpi ne, %convert_element_type3A_439, %cond3A_440 : i32
      scf.if %cond3A_441 {
        %ge3A = arith.constant 4 : i32
        %ge3A_442 = arith.cmpi sge, %add3A_425, %ge3A : i32
        %convert_element_type3A_443 = arith.extui %ge3A_442 : i1 to i32
        %cond3A_444 = arith.constant 0 : i32
        %cond3A_445 = arith.cmpi ne, %convert_element_type3A_443, %cond3A_444 : i32
        scf.if %cond3A_445 {
          %sub3A_459 = arith.constant 4 : i32
          %sub3A_460 = arith.subi %add3A_425, %sub3A_459 : i32
          %mul3A_461 = arith.constant 128 : i32
          %mul3A_462 = arith.muli %sub3A_460, %mul3A_461 : i32
          %add3A_463 = arith.addi %mul3A_76, %mul3A_462 : i32
          %mul3A_464 = arith.constant 32 : i32
          %mul3A_465 = arith.muli %select_n3A_71, %mul3A_464 : i32
          %dma_wait3A_466 = arith.constant 3 : i32
          %dma_wait3A_467 = arith.constant 0 : i32
          %dma_wait3A_468 = arith.constant 0 : i32
          %dma_wait3A_469 = tpu.memref_slice %arg9[%dma_wait3A_466, %dma_wait3A_467, %dma_wait3A_468] : memref<8x128x32xf32, #tpu.memory_space<vmem>> -> memref<1x128x32xf32, #tpu.memory_space<vmem>>
          %dma_wait3A_470 = tpu.memref_squeeze %dma_wait3A_469 : memref<1x128x32xf32, #tpu.memory_space<vmem>> -> memref<128x32xf32, #tpu.memory_space<vmem>>
          %dma_wait3A_471 = tpu.memref_slice %arg6[%add3A_463, %mul3A_465] : memref<80000x128xf32, #tpu.memory_space<hbm>> -> memref<128x32xf32, #tpu.memory_space<hbm>>
          %dma_wait3A_472 = tpu.memref_slice %arg6[%add3A_463, %mul3A_465] : memref<80000x128xf32, #tpu.memory_space<hbm>> -> memref<128x32xf32, #tpu.memory_space<hbm>>
          %dma_wait3A_473 = arith.constant 0 : i32
          %dma_wait3A_474 = arith.constant 0 : i32
          %dma_wait3A_475 = tpu.memref_slice %arg9[%dma_wait3A_466, %dma_wait3A_473, %dma_wait3A_474] : memref<8x128x32xf32, #tpu.memory_space<vmem>> -> memref<1x128x32xf32, #tpu.memory_space<vmem>>
          %dma_wait3A_476 = tpu.memref_squeeze %dma_wait3A_475 : memref<1x128x32xf32, #tpu.memory_space<vmem>> -> memref<128x32xf32, #tpu.memory_space<vmem>>
          tpu.wait_dma2 semaphore(%arg29 : memref<!tpu.dma_semaphore, #tpu.memory_space<semaphore_mem>>) src(%dma_wait3A_476 : memref<128x32xf32, #tpu.memory_space<vmem>>) dst(%dma_wait3A_472 : memref<128x32xf32, #tpu.memory_space<hbm>>)
        } else {
        }
        %add3A_446 = arith.constant 4 : i32
        %add3A_447 = arith.addi %add3A_425, %add3A_446 : i32
        %mul3A_448 = arith.constant 128 : i32
        %mul3A_449 = arith.muli %add3A_447, %mul3A_448 : i32
        %dma_start3A_450 = arith.constant 3 : i32
        %dma_start3A_451 = arith.constant 0 : i32
        %dma_start3A_452 = arith.constant 0 : i32
        %dma_start3A_453 = tpu.memref_slice %arg9[%dma_start3A_450, %dma_start3A_451, %dma_start3A_452] : memref<8x128x32xf32, #tpu.memory_space<vmem>> -> memref<1x128x32xf32, #tpu.memory_space<vmem>>
        %dma_start3A_454 = tpu.memref_squeeze %dma_start3A_453 : memref<1x128x32xf32, #tpu.memory_space<vmem>> -> memref<128x32xf32, #tpu.memory_space<vmem>>
        %dma_start3A_455 = tpu.memref_slice %arg7[%mul3A_449] : memref<10112xi32, #tpu.memory_space<vmem>> -> memref<128xi32, #tpu.memory_space<vmem>>
        %dma_start3A_456 = arith.constant 0 : i32
        %dma_start3A_457 = arith.constant 0 : i32
        %dma_start3A_458 = tpu.memref_slice %arg2[%dma_start3A_456, %dma_start3A_457] : memref<10000x32xf32, #tpu.memory_space<hbm>> -> memref<10000x32xf32, #tpu.memory_space<hbm>>
        tpu.enqueue_indirect_dma source(%dma_start3A_458 : memref<10000x32xf32, #tpu.memory_space<hbm>>) target(%dma_start3A_454 : memref<128x32xf32, #tpu.memory_space<vmem>>) offsets(%dma_start3A_455 : memref<128xi32, #tpu.memory_space<vmem>>) semaphore(%arg13 : memref<!tpu.dma_semaphore, #tpu.memory_space<semaphore_mem>>)
      } else {
      }
    }
    %scan3A_163 = arith.constant 10 : i32
    %add3A_164 = arith.constant 0 : i32
    %add3A_165 = arith.addi %mul3A_76, %add3A_164 : i32
    %mul3A_166 = arith.constant 32 : i32
    %mul3A_167 = arith.muli %select_n3A_71, %mul3A_166 : i32
    %dma_wait3A_168 = arith.constant 0 : i32
    %dma_wait3A_169 = arith.constant 0 : i32
    %dma_wait3A_170 = arith.constant 0 : i32
    %dma_wait3A_171 = tpu.memref_slice %arg9[%dma_wait3A_168, %dma_wait3A_169, %dma_wait3A_170] : memref<8x128x32xf32, #tpu.memory_space<vmem>> -> memref<1x128x32xf32, #tpu.memory_space<vmem>>
    %dma_wait3A_172 = tpu.memref_squeeze %dma_wait3A_171 : memref<1x128x32xf32, #tpu.memory_space<vmem>> -> memref<128x32xf32, #tpu.memory_space<vmem>>
    %dma_wait3A_173 = tpu.memref_slice %arg6[%add3A_165, %mul3A_167] : memref<80000x128xf32, #tpu.memory_space<hbm>> -> memref<128x32xf32, #tpu.memory_space<hbm>>
    %dma_wait3A_174 = tpu.memref_slice %arg6[%add3A_165, %mul3A_167] : memref<80000x128xf32, #tpu.memory_space<hbm>> -> memref<128x32xf32, #tpu.memory_space<hbm>>
    %dma_wait3A_175 = arith.constant 0 : i32
    %dma_wait3A_176 = arith.constant 0 : i32
    %dma_wait3A_177 = tpu.memref_slice %arg9[%dma_wait3A_168, %dma_wait3A_175, %dma_wait3A_176] : memref<8x128x32xf32, #tpu.memory_space<vmem>> -> memref<1x128x32xf32, #tpu.memory_space<vmem>>
    %dma_wait3A_178 = tpu.memref_squeeze %dma_wait3A_177 : memref<1x128x32xf32, #tpu.memory_space<vmem>> -> memref<128x32xf32, #tpu.memory_space<vmem>>
    tpu.wait_dma2 semaphore(%arg26 : memref<!tpu.dma_semaphore, #tpu.memory_space<semaphore_mem>>) src(%dma_wait3A_178 : memref<128x32xf32, #tpu.memory_space<vmem>>) dst(%dma_wait3A_174 : memref<128x32xf32, #tpu.memory_space<hbm>>)
    %add3A_179 = arith.constant 0 : i32
    %add3A_180 = arith.addi %mul3A_76, %add3A_179 : i32
    %mul3A_181 = arith.constant 32 : i32
    %mul3A_182 = arith.muli %select_n3A_71, %mul3A_181 : i32
    %dma_wait3A_183 = arith.constant 1 : i32
    %dma_wait3A_184 = arith.constant 0 : i32
    %dma_wait3A_185 = arith.constant 0 : i32
    %dma_wait3A_186 = tpu.memref_slice %arg9[%dma_wait3A_183, %dma_wait3A_184, %dma_wait3A_185] : memref<8x128x32xf32, #tpu.memory_space<vmem>> -> memref<1x128x32xf32, #tpu.memory_space<vmem>>
    %dma_wait3A_187 = tpu.memref_squeeze %dma_wait3A_186 : memref<1x128x32xf32, #tpu.memory_space<vmem>> -> memref<128x32xf32, #tpu.memory_space<vmem>>
    %dma_wait3A_188 = tpu.memref_slice %arg6[%add3A_180, %mul3A_182] : memref<80000x128xf32, #tpu.memory_space<hbm>> -> memref<128x32xf32, #tpu.memory_space<hbm>>
    %dma_wait3A_189 = tpu.memref_slice %arg6[%add3A_180, %mul3A_182] : memref<80000x128xf32, #tpu.memory_space<hbm>> -> memref<128x32xf32, #tpu.memory_space<hbm>>
    %dma_wait3A_190 = arith.constant 0 : i32
    %dma_wait3A_191 = arith.constant 0 : i32
    %dma_wait3A_192 = tpu.memref_slice %arg9[%dma_wait3A_183, %dma_wait3A_190, %dma_wait3A_191] : memref<8x128x32xf32, #tpu.memory_space<vmem>> -> memref<1x128x32xf32, #tpu.memory_space<vmem>>
    %dma_wait3A_193 = tpu.memref_squeeze %dma_wait3A_192 : memref<1x128x32xf32, #tpu.memory_space<vmem>> -> memref<128x32xf32, #tpu.memory_space<vmem>>
    tpu.wait_dma2 semaphore(%arg27 : memref<!tpu.dma_semaphore, #tpu.memory_space<semaphore_mem>>) src(%dma_wait3A_193 : memref<128x32xf32, #tpu.memory_space<vmem>>) dst(%dma_wait3A_189 : memref<128x32xf32, #tpu.memory_space<hbm>>)
    %add3A_194 = arith.constant 0 : i32
    %add3A_195 = arith.addi %mul3A_76, %add3A_194 : i32
    %mul3A_196 = arith.constant 32 : i32
    %mul3A_197 = arith.muli %select_n3A_71, %mul3A_196 : i32
    %dma_wait3A_198 = arith.constant 2 : i32
    %dma_wait3A_199 = arith.constant 0 : i32
    %dma_wait3A_200 = arith.constant 0 : i32
    %dma_wait3A_201 = tpu.memref_slice %arg9[%dma_wait3A_198, %dma_wait3A_199, %dma_wait3A_200] : memref<8x128x32xf32, #tpu.memory_space<vmem>> -> memref<1x128x32xf32, #tpu.memory_space<vmem>>
    %dma_wait3A_202 = tpu.memref_squeeze %dma_wait3A_201 : memref<1x128x32xf32, #tpu.memory_space<vmem>> -> memref<128x32xf32, #tpu.memory_space<vmem>>
    %dma_wait3A_203 = tpu.memref_slice %arg6[%add3A_195, %mul3A_197] : memref<80000x128xf32, #tpu.memory_space<hbm>> -> memref<128x32xf32, #tpu.memory_space<hbm>>
    %dma_wait3A_204 = tpu.memref_slice %arg6[%add3A_195, %mul3A_197] : memref<80000x128xf32, #tpu.memory_space<hbm>> -> memref<128x32xf32, #tpu.memory_space<hbm>>
    %dma_wait3A_205 = arith.constant 0 : i32
    %dma_wait3A_206 = arith.constant 0 : i32
    %dma_wait3A_207 = tpu.memref_slice %arg9[%dma_wait3A_198, %dma_wait3A_205, %dma_wait3A_206] : memref<8x128x32xf32, #tpu.memory_space<vmem>> -> memref<1x128x32xf32, #tpu.memory_space<vmem>>
    %dma_wait3A_208 = tpu.memref_squeeze %dma_wait3A_207 : memref<1x128x32xf32, #tpu.memory_space<vmem>> -> memref<128x32xf32, #tpu.memory_space<vmem>>
    tpu.wait_dma2 semaphore(%arg28 : memref<!tpu.dma_semaphore, #tpu.memory_space<semaphore_mem>>) src(%dma_wait3A_208 : memref<128x32xf32, #tpu.memory_space<vmem>>) dst(%dma_wait3A_204 : memref<128x32xf32, #tpu.memory_space<hbm>>)
    %add3A_209 = arith.constant 0 : i32
    %add3A_210 = arith.addi %mul3A_76, %add3A_209 : i32
    %mul3A_211 = arith.constant 32 : i32
    %mul3A_212 = arith.muli %select_n3A_71, %mul3A_211 : i32
    %dma_wait3A_213 = arith.constant 3 : i32
    %dma_wait3A_214 = arith.constant 0 : i32
    %dma_wait3A_215 = arith.constant 0 : i32
    %dma_wait3A_216 = tpu.memref_slice %arg9[%dma_wait3A_213, %dma_wait3A_214, %dma_wait3A_215] : memref<8x128x32xf32, #tpu.memory_space<vmem>> -> memref<1x128x32xf32, #tpu.memory_space<vmem>>
    %dma_wait3A_217 = tpu.memref_squeeze %dma_wait3A_216 : memref<1x128x32xf32, #tpu.memory_space<vmem>> -> memref<128x32xf32, #tpu.memory_space<vmem>>
    %dma_wait3A_218 = tpu.memref_slice %arg6[%add3A_210, %mul3A_212] : memref<80000x128xf32, #tpu.memory_space<hbm>> -> memref<128x32xf32, #tpu.memory_space<hbm>>
    %dma_wait3A_219 = tpu.memref_slice %arg6[%add3A_210, %mul3A_212] : memref<80000x128xf32, #tpu.memory_space<hbm>> -> memref<128x32xf32, #tpu.memory_space<hbm>>
    %dma_wait3A_220 = arith.constant 0 : i32
    %dma_wait3A_221 = arith.constant 0 : i32
    %dma_wait3A_222 = tpu.memref_slice %arg9[%dma_wait3A_213, %dma_wait3A_220, %dma_wait3A_221] : memref<8x128x32xf32, #tpu.memory_space<vmem>> -> memref<1x128x32xf32, #tpu.memory_space<vmem>>
    %dma_wait3A_223 = tpu.memref_squeeze %dma_wait3A_222 : memref<1x128x32xf32, #tpu.memory_space<vmem>> -> memref<128x32xf32, #tpu.memory_space<vmem>>
    tpu.wait_dma2 semaphore(%arg29 : memref<!tpu.dma_semaphore, #tpu.memory_space<semaphore_mem>>) src(%dma_wait3A_223 : memref<128x32xf32, #tpu.memory_space<vmem>>) dst(%dma_wait3A_219 : memref<128x32xf32, #tpu.memory_space<hbm>>)
    %add3A_224 = arith.constant 0 : i32
    %add3A_225 = arith.addi %mul3A_76, %add3A_224 : i32
    %mul3A_226 = arith.constant 32 : i32
    %mul3A_227 = arith.muli %select_n3A_71, %mul3A_226 : i32
    %dma_wait3A_228 = arith.constant 4 : i32
    %dma_wait3A_229 = arith.constant 0 : i32
    %dma_wait3A_230 = arith.constant 0 : i32
    %dma_wait3A_231 = tpu.memref_slice %arg9[%dma_wait3A_228, %dma_wait3A_229, %dma_wait3A_230] : memref<8x128x32xf32, #tpu.memory_space<vmem>> -> memref<1x128x32xf32, #tpu.memory_space<vmem>>
    %dma_wait3A_232 = tpu.memref_squeeze %dma_wait3A_231 : memref<1x128x32xf32, #tpu.memory_space<vmem>> -> memref<128x32xf32, #tpu.memory_space<vmem>>
    %dma_wait3A_233 = tpu.memref_slice %arg6[%add3A_225, %mul3A_227] : memref<80000x128xf32, #tpu.memory_space<hbm>> -> memref<128x32xf32, #tpu.memory_space<hbm>>
    %dma_wait3A_234 = tpu.memref_slice %arg6[%add3A_225, %mul3A_227] : memref<80000x128xf32, #tpu.memory_space<hbm>> -> memref<128x32xf32, #tpu.memory_space<hbm>>
    %dma_wait3A_235 = arith.constant 0 : i32
    %dma_wait3A_236 = arith.constant 0 : i32
    %dma_wait3A_237 = tpu.memref_slice %arg9[%dma_wait3A_228, %dma_wait3A_235, %dma_wait3A_236] : memref<8x128x32xf32, #tpu.memory_space<vmem>> -> memref<1x128x32xf32, #tpu.memory_space<vmem>>
    %dma_wait3A_238 = tpu.memref_squeeze %dma_wait3A_237 : memref<1x128x32xf32, #tpu.memory_space<vmem>> -> memref<128x32xf32, #tpu.memory_space<vmem>>
    tpu.wait_dma2 semaphore(%arg30 : memref<!tpu.dma_semaphore, #tpu.memory_space<semaphore_mem>>) src(%dma_wait3A_238 : memref<128x32xf32, #tpu.memory_space<vmem>>) dst(%dma_wait3A_234 : memref<128x32xf32, #tpu.memory_space<hbm>>)
    %add3A_239 = arith.constant 0 : i32
    %add3A_240 = arith.addi %mul3A_76, %add3A_239 : i32
    %mul3A_241 = arith.constant 32 : i32
    %mul3A_242 = arith.muli %select_n3A_71, %mul3A_241 : i32
    %dma_wait3A_243 = arith.constant 5 : i32
    %dma_wait3A_244 = arith.constant 0 : i32
    %dma_wait3A_245 = arith.constant 0 : i32
    %dma_wait3A_246 = tpu.memref_slice %arg9[%dma_wait3A_243, %dma_wait3A_244, %dma_wait3A_245] : memref<8x128x32xf32, #tpu.memory_space<vmem>> -> memref<1x128x32xf32, #tpu.memory_space<vmem>>
    %dma_wait3A_247 = tpu.memref_squeeze %dma_wait3A_246 : memref<1x128x32xf32, #tpu.memory_space<vmem>> -> memref<128x32xf32, #tpu.memory_space<vmem>>
    %dma_wait3A_248 = tpu.memref_slice %arg6[%add3A_240, %mul3A_242] : memref<80000x128xf32, #tpu.memory_space<hbm>> -> memref<128x32xf32, #tpu.memory_space<hbm>>
    %dma_wait3A_249 = tpu.memref_slice %arg6[%add3A_240, %mul3A_242] : memref<80000x128xf32, #tpu.memory_space<hbm>> -> memref<128x32xf32, #tpu.memory_space<hbm>>
    %dma_wait3A_250 = arith.constant 0 : i32
    %dma_wait3A_251 = arith.constant 0 : i32
    %dma_wait3A_252 = tpu.memref_slice %arg9[%dma_wait3A_243, %dma_wait3A_250, %dma_wait3A_251] : memref<8x128x32xf32, #tpu.memory_space<vmem>> -> memref<1x128x32xf32, #tpu.memory_space<vmem>>
    %dma_wait3A_253 = tpu.memref_squeeze %dma_wait3A_252 : memref<1x128x32xf32, #tpu.memory_space<vmem>> -> memref<128x32xf32, #tpu.memory_space<vmem>>
    tpu.wait_dma2 semaphore(%arg31 : memref<!tpu.dma_semaphore, #tpu.memory_space<semaphore_mem>>) src(%dma_wait3A_253 : memref<128x32xf32, #tpu.memory_space<vmem>>) dst(%dma_wait3A_249 : memref<128x32xf32, #tpu.memory_space<hbm>>)
    %add3A_254 = arith.constant 0 : i32
    %add3A_255 = arith.addi %mul3A_76, %add3A_254 : i32
    %mul3A_256 = arith.constant 32 : i32
    %mul3A_257 = arith.muli %select_n3A_71, %mul3A_256 : i32
    %dma_wait3A_258 = arith.constant 6 : i32
    %dma_wait3A_259 = arith.constant 0 : i32
    %dma_wait3A_260 = arith.constant 0 : i32
    %dma_wait3A_261 = tpu.memref_slice %arg9[%dma_wait3A_258, %dma_wait3A_259, %dma_wait3A_260] : memref<8x128x32xf32, #tpu.memory_space<vmem>> -> memref<1x128x32xf32, #tpu.memory_space<vmem>>
    %dma_wait3A_262 = tpu.memref_squeeze %dma_wait3A_261 : memref<1x128x32xf32, #tpu.memory_space<vmem>> -> memref<128x32xf32, #tpu.memory_space<vmem>>
    %dma_wait3A_263 = tpu.memref_slice %arg6[%add3A_255, %mul3A_257] : memref<80000x128xf32, #tpu.memory_space<hbm>> -> memref<128x32xf32, #tpu.memory_space<hbm>>
    %dma_wait3A_264 = tpu.memref_slice %arg6[%add3A_255, %mul3A_257] : memref<80000x128xf32, #tpu.memory_space<hbm>> -> memref<128x32xf32, #tpu.memory_space<hbm>>
    %dma_wait3A_265 = arith.constant 0 : i32
    %dma_wait3A_266 = arith.constant 0 : i32
    %dma_wait3A_267 = tpu.memref_slice %arg9[%dma_wait3A_258, %dma_wait3A_265, %dma_wait3A_266] : memref<8x128x32xf32, #tpu.memory_space<vmem>> -> memref<1x128x32xf32, #tpu.memory_space<vmem>>
    %dma_wait3A_268 = tpu.memref_squeeze %dma_wait3A_267 : memref<1x128x32xf32, #tpu.memory_space<vmem>> -> memref<128x32xf32, #tpu.memory_space<vmem>>
    tpu.wait_dma2 semaphore(%arg32 : memref<!tpu.dma_semaphore, #tpu.memory_space<semaphore_mem>>) src(%dma_wait3A_268 : memref<128x32xf32, #tpu.memory_space<vmem>>) dst(%dma_wait3A_264 : memref<128x32xf32, #tpu.memory_space<hbm>>)
    %add3A_269 = arith.constant 0 : i32
    %add3A_270 = arith.addi %mul3A_76, %add3A_269 : i32
    %mul3A_271 = arith.constant 32 : i32
    %mul3A_272 = arith.muli %select_n3A_71, %mul3A_271 : i32
    %dma_wait3A_273 = arith.constant 7 : i32
    %dma_wait3A_274 = arith.constant 0 : i32
    %dma_wait3A_275 = arith.constant 0 : i32
    %dma_wait3A_276 = tpu.memref_slice %arg9[%dma_wait3A_273, %dma_wait3A_274, %dma_wait3A_275] : memref<8x128x32xf32, #tpu.memory_space<vmem>> -> memref<1x128x32xf32, #tpu.memory_space<vmem>>
    %dma_wait3A_277 = tpu.memref_squeeze %dma_wait3A_276 : memref<1x128x32xf32, #tpu.memory_space<vmem>> -> memref<128x32xf32, #tpu.memory_space<vmem>>
    %dma_wait3A_278 = tpu.memref_slice %arg6[%add3A_270, %mul3A_272] : memref<80000x128xf32, #tpu.memory_space<hbm>> -> memref<128x32xf32, #tpu.memory_space<hbm>>
    %dma_wait3A_279 = tpu.memref_slice %arg6[%add3A_270, %mul3A_272] : memref<80000x128xf32, #tpu.memory_space<hbm>> -> memref<128x32xf32, #tpu.memory_space<hbm>>
    %dma_wait3A_280 = arith.constant 0 : i32
    %dma_wait3A_281 = arith.constant 0 : i32
    %dma_wait3A_282 = tpu.memref_slice %arg9[%dma_wait3A_273, %dma_wait3A_280, %dma_wait3A_281] : memref<8x128x32xf32, #tpu.memory_space<vmem>> -> memref<1x128x32xf32, #tpu.memory_space<vmem>>
    %dma_wait3A_283 = tpu.memref_squeeze %dma_wait3A_282 : memref<1x128x32xf32, #tpu.memory_space<vmem>> -> memref<128x32xf32, #tpu.memory_space<vmem>>
    tpu.wait_dma2 semaphore(%arg33 : memref<!tpu.dma_semaphore, #tpu.memory_space<semaphore_mem>>) src(%dma_wait3A_283 : memref<128x32xf32, #tpu.memory_space<vmem>>) dst(%dma_wait3A_279 : memref<128x32xf32, #tpu.memory_space<hbm>>)
    return
  }
}

module attributes {stable_mosaic.version = 14 : i64} {
  func.func @_proj_body(%arg0: memref<10000x128xf32, #tpu.memory_space<vmem>>, %arg1: memref<128x32xf32, #tpu.memory_space<vmem>>, %arg2: memref<128x32xf32, #tpu.memory_space<vmem>>, %arg3: memref<10000x32xf32, #tpu.memory_space<vmem>>, %arg4: memref<10000x32xf32, #tpu.memory_space<vmem>>) attributes {dimension_semantics = [], scalar_prefetch = 0 : i64, scratch_operands = 0 : i64, tpu.core_type = #tpu.core_type<tc>} {
    %get3A = arith.constant 0 : index
    %get3A_0 = arith.constant 0 : index
    %get3A_1 = vector.load %arg0[%get3A, %get3A_0] : memref<10000x128xf32, #tpu.memory_space<vmem>>, vector<10000x128xf32>
    %get3A_2 = arith.constant 0 : index
    %get3A_3 = arith.constant 0 : index
    %get3A_4 = vector.load %arg1[%get3A_2, %get3A_3] : memref<128x32xf32, #tpu.memory_space<vmem>>, vector<128x32xf32>
    %dot_general3A = arith.constant dense<0.000000e+00> : vector<10000x32xf32>
    %dot_general3A_5 = tpu.matmul %get3A_1, %get3A_4, %dot_general3A {dimension_numbers = #tpu.dot_dimension_numbers<[1], [0], [0], [1], [0, 0, 1, 1], [], []>, transpose_lhs_hint = false} : vector<10000x128xf32>, vector<128x32xf32>, vector<10000x32xf32> -> vector<10000x32xf32>
    %swap3A = arith.constant 0 : index
    %swap3A_6 = arith.constant 0 : index
    %swap3A_7 = vector.load %arg3[%swap3A, %swap3A_6] : memref<10000x32xf32, #tpu.memory_space<vmem>>, vector<10000x32xf32>
    tpu.vector_store %arg3[%swap3A, %swap3A_6], %dot_general3A_5 {strides = array<i32>} : memref<10000x32xf32, #tpu.memory_space<vmem>>, vector<10000x32xf32>,
    %get3A_8 = arith.constant 0 : index
    %get3A_9 = arith.constant 0 : index
    %get3A_10 = vector.load %arg2[%get3A_8, %get3A_9] : memref<128x32xf32, #tpu.memory_space<vmem>>, vector<128x32xf32>
    %dot_general3A_11 = arith.constant dense<0.000000e+00> : vector<10000x32xf32>
    %dot_general3A_12 = tpu.matmul %get3A_1, %get3A_10, %dot_general3A_11 {dimension_numbers = #tpu.dot_dimension_numbers<[1], [0], [0], [1], [0, 0, 1, 1], [], []>, transpose_lhs_hint = false} : vector<10000x128xf32>, vector<128x32xf32>, vector<10000x32xf32> -> vector<10000x32xf32>
    %swap3A_13 = arith.constant 0 : index
    %swap3A_14 = arith.constant 0 : index
    %swap3A_15 = vector.load %arg4[%swap3A_13, %swap3A_14] : memref<10000x32xf32, #tpu.memory_space<vmem>>, vector<10000x32xf32>
    tpu.vector_store %arg4[%swap3A_13, %swap3A_14], %dot_general3A_12 {strides = array<i32>} : memref<10000x32xf32, #tpu.memory_space<vmem>>, vector<10000x32xf32>,
    return
  }
}

module attributes {stable_mosaic.version = 14 : i64} {
  func.func @_mlp_body(%arg0: i32, %arg1: memref<3200x128xf32, #tpu.memory_space<vmem>>, %arg2: memref<16x3200xf32, #tpu.memory_space<vmem>>, %arg3: memref<16x3200xf32, #tpu.memory_space<vmem>>, %arg4: memref<16x3200xf32, #tpu.memory_space<vmem>>, %arg5: memref<16x3200xf32, #tpu.memory_space<vmem>>, %arg6: memref<32x16xf32, #tpu.memory_space<vmem>>, %arg7: memref<32x1xf32, #tpu.memory_space<vmem>>, %arg8: memref<16x32xf32, #tpu.memory_space<vmem>>, %arg9: memref<16x1xf32, #tpu.memory_space<vmem>>, %arg10: memref<16x3200xf32, #tpu.memory_space<vmem>>, %arg11: memref<16x3200xf32, #tpu.memory_space<vmem>>, %arg12: memref<16x3200xf32, #tpu.memory_space<vmem>>, %arg13: memref<16x3200xf32, #tpu.memory_space<vmem>>) attributes {dimension_semantics = [#tpu.dimension_semantics<arbitrary>], iteration_bounds = array<i64: 25>, scalar_prefetch = 0 : i64, scratch_operands = 0 : i64, tpu.core_type = #tpu.core_type<tc>, window_params = [{transform_indices = @transform_0, window_bounds = array<i64: 3200, 128>}, {transform_indices = @transform_1, window_bounds = array<i64: 16, 3200>}, {transform_indices = @transform_2, window_bounds = array<i64: 16, 3200>}, {transform_indices = @transform_3, window_bounds = array<i64: 16, 3200>}, {transform_indices = @transform_4, window_bounds = array<i64: 16, 3200>}, {pipeline_mode = #tpu.pipeline_mode<synchronous>, transform_indices = @transform_5, window_bounds = array<i64: 32, 16>}, {pipeline_mode = #tpu.pipeline_mode<synchronous>, transform_indices = @transform_6, window_bounds = array<i64: 32, 1>}, {pipeline_mode = #tpu.pipeline_mode<synchronous>, transform_indices = @transform_7, window_bounds = array<i64: 16, 32>}, {pipeline_mode = #tpu.pipeline_mode<synchronous>, transform_indices = @transform_8, window_bounds = array<i64: 16, 1>}, {transform_indices = @transform_9, window_bounds = array<i64: 16, 3200>}, {transform_indices = @transform_10, window_bounds = array<i64: 16, 3200>}, {transform_indices = @transform_11, window_bounds = array<i64: 16, 3200>}, {transform_indices = @transform_12, window_bounds = array<i64: 16, 3200>}]} {
    %get3A = arith.constant 0 : index
    %get3A_0 = arith.constant 0 : index
    %get3A_1 = vector.load %arg1[%get3A, %get3A_0] : memref<3200x128xf32, #tpu.memory_space<vmem>>, vector<3200x128xf32>
    %transpose3A = tpu.transpose %get3A_1, [1, 0] : vector<3200x128xf32> -> vector<128x3200xf32>
    %get3A_2 = arith.constant 0 : index
    %get3A_3 = arith.constant 0 : index
    %get3A_4 = vector.load %arg6[%get3A_2, %get3A_3] : memref<32x16xf32, #tpu.memory_space<vmem>>, vector<32x16xf32>
    %get3A_5 = arith.constant 0 : index
    %get3A_6 = arith.constant 0 : index
    %get3A_7 = vector.load %arg8[%get3A_5, %get3A_6] : memref<16x32xf32, #tpu.memory_space<vmem>>, vector<16x32xf32>
    %get3A_8 = arith.constant 0 : index
    %get3A_9 = arith.constant 0 : index
    %get3A_10 = vector.load %arg7[%get3A_8, %get3A_9] : memref<32x1xf32, #tpu.memory_space<vmem>>, vector<32x1xf32>
    %get3A_11 = arith.constant 0 : index
    %get3A_12 = arith.constant 0 : index
    %get3A_13 = vector.load %arg9[%get3A_11, %get3A_12] : memref<16x1xf32, #tpu.memory_space<vmem>>, vector<16x1xf32>
    %get3A_14 = arith.constant 0 : index
    %get3A_15 = arith.constant 0 : index
    %get3A_16 = vector.load %arg2[%get3A_14, %get3A_15] : memref<16x3200xf32, #tpu.memory_space<vmem>>, vector<16x3200xf32>
    %slice3A = vector.extract_strided_slice %transpose3A {offsets = [0, 0], sizes = [32, 3200], strides = [1, 1]} : vector<128x3200xf32> to vector<32x3200xf32>
    %dot_general3A = arith.constant dense<0.000000e+00> : vector<32x3200xf32>
    %dot_general3A_17 = tpu.matmul %get3A_4, %get3A_16, %dot_general3A {dimension_numbers = #tpu.dot_dimension_numbers<[1], [0], [0], [1], [0, 0, 1, 1], [], []>, transpose_lhs_hint = false} : vector<32x16xf32>, vector<16x3200xf32>, vector<32x3200xf32> -> vector<32x3200xf32>
    %add3A = arith.addf %slice3A, %dot_general3A_17 : vector<32x3200xf32>
    %add3A_18 = vector.broadcast %get3A_10 : vector<32x1xf32> to vector<32x3200xf32>
    %add3A_19 = arith.addf %add3A, %add3A_18 : vector<32x3200xf32>
    %max3A = arith.constant 0.000000e+00 : f32
    %max3A_20 = vector.broadcast %max3A : f32 to vector<32x3200xf32>
    %max3A_21 = arith.maximumf %add3A_19, %max3A_20 : vector<32x3200xf32>
    %dot_general3A_22 = arith.constant dense<0.000000e+00> : vector<16x3200xf32>
    %dot_general3A_23 = tpu.matmul %get3A_7, %max3A_21, %dot_general3A_22 {dimension_numbers = #tpu.dot_dimension_numbers<[1], [0], [0], [1], [0, 0, 1, 1], [], []>, transpose_lhs_hint = false} : vector<16x32xf32>, vector<32x3200xf32>, vector<16x3200xf32> -> vector<16x3200xf32>
    %add3A_24 = arith.addf %get3A_16, %dot_general3A_23 : vector<16x3200xf32>
    %add3A_25 = vector.broadcast %get3A_13 : vector<16x1xf32> to vector<16x3200xf32>
    %add3A_26 = arith.addf %add3A_24, %add3A_25 : vector<16x3200xf32>
    %swap3A = arith.constant 0 : index
    %swap3A_27 = arith.constant 0 : index
    %swap3A_28 = vector.load %arg10[%swap3A, %swap3A_27] : memref<16x3200xf32, #tpu.memory_space<vmem>>, vector<16x3200xf32>
    tpu.vector_store %arg10[%swap3A, %swap3A_27], %add3A_26 {strides = array<i32>} : memref<16x3200xf32, #tpu.memory_space<vmem>>, vector<16x3200xf32>,
    %get3A_29 = arith.constant 0 : index
    %get3A_30 = arith.constant 0 : index
    %get3A_31 = vector.load %arg3[%get3A_29, %get3A_30] : memref<16x3200xf32, #tpu.memory_space<vmem>>, vector<16x3200xf32>
    %slice3A_32 = vector.extract_strided_slice %transpose3A {offsets = [32, 0], sizes = [32, 3200], strides = [1, 1]} : vector<128x3200xf32> to vector<32x3200xf32>
    %dot_general3A_33 = arith.constant dense<0.000000e+00> : vector<32x3200xf32>
    %dot_general3A_34 = tpu.matmul %get3A_4, %get3A_31, %dot_general3A_33 {dimension_numbers = #tpu.dot_dimension_numbers<[1], [0], [0], [1], [0, 0, 1, 1], [], []>, transpose_lhs_hint = false} : vector<32x16xf32>, vector<16x3200xf32>, vector<32x3200xf32> -> vector<32x3200xf32>
    %add3A_35 = arith.addf %slice3A_32, %dot_general3A_34 : vector<32x3200xf32>
    %add3A_36 = vector.broadcast %get3A_10 : vector<32x1xf32> to vector<32x3200xf32>
    %add3A_37 = arith.addf %add3A_35, %add3A_36 : vector<32x3200xf32>
    %max3A_38 = arith.constant 0.000000e+00 : f32
    %max3A_39 = vector.broadcast %max3A_38 : f32 to vector<32x3200xf32>
    %max3A_40 = arith.maximumf %add3A_37, %max3A_39 : vector<32x3200xf32>
    %dot_general3A_41 = arith.constant dense<0.000000e+00> : vector<16x3200xf32>
    %dot_general3A_42 = tpu.matmul %get3A_7, %max3A_40, %dot_general3A_41 {dimension_numbers = #tpu.dot_dimension_numbers<[1], [0], [0], [1], [0, 0, 1, 1], [], []>, transpose_lhs_hint = false} : vector<16x32xf32>, vector<32x3200xf32>, vector<16x3200xf32> -> vector<16x3200xf32>
    %add3A_43 = arith.addf %get3A_31, %dot_general3A_42 : vector<16x3200xf32>
    %add3A_44 = vector.broadcast %get3A_13 : vector<16x1xf32> to vector<16x3200xf32>
    %add3A_45 = arith.addf %add3A_43, %add3A_44 : vector<16x3200xf32>
    %swap3A_46 = arith.constant 0 : index
    %swap3A_47 = arith.constant 0 : index
    %swap3A_48 = vector.load %arg11[%swap3A_46, %swap3A_47] : memref<16x3200xf32, #tpu.memory_space<vmem>>, vector<16x3200xf32>
    tpu.vector_store %arg11[%swap3A_46, %swap3A_47], %add3A_45 {strides = array<i32>} : memref<16x3200xf32, #tpu.memory_space<vmem>>, vector<16x3200xf32>,
    %get3A_49 = arith.constant 0 : index
    %get3A_50 = arith.constant 0 : index
    %get3A_51 = vector.load %arg4[%get3A_49, %get3A_50] : memref<16x3200xf32, #tpu.memory_space<vmem>>, vector<16x3200xf32>
    %slice3A_52 = vector.extract_strided_slice %transpose3A {offsets = [64, 0], sizes = [32, 3200], strides = [1, 1]} : vector<128x3200xf32> to vector<32x3200xf32>
    %dot_general3A_53 = arith.constant dense<0.000000e+00> : vector<32x3200xf32>
    %dot_general3A_54 = tpu.matmul %get3A_4, %get3A_51, %dot_general3A_53 {dimension_numbers = #tpu.dot_dimension_numbers<[1], [0], [0], [1], [0, 0, 1, 1], [], []>, transpose_lhs_hint = false} : vector<32x16xf32>, vector<16x3200xf32>, vector<32x3200xf32> -> vector<32x3200xf32>
    %add3A_55 = arith.addf %slice3A_52, %dot_general3A_54 : vector<32x3200xf32>
    %add3A_56 = vector.broadcast %get3A_10 : vector<32x1xf32> to vector<32x3200xf32>
    %add3A_57 = arith.addf %add3A_55, %add3A_56 : vector<32x3200xf32>
    %max3A_58 = arith.constant 0.000000e+00 : f32
    %max3A_59 = vector.broadcast %max3A_58 : f32 to vector<32x3200xf32>
    %max3A_60 = arith.maximumf %add3A_57, %max3A_59 : vector<32x3200xf32>
    %dot_general3A_61 = arith.constant dense<0.000000e+00> : vector<16x3200xf32>
    %dot_general3A_62 = tpu.matmul %get3A_7, %max3A_60, %dot_general3A_61 {dimension_numbers = #tpu.dot_dimension_numbers<[1], [0], [0], [1], [0, 0, 1, 1], [], []>, transpose_lhs_hint = false} : vector<16x32xf32>, vector<32x3200xf32>, vector<16x3200xf32> -> vector<16x3200xf32>
    %add3A_63 = arith.addf %get3A_51, %dot_general3A_62 : vector<16x3200xf32>
    %add3A_64 = vector.broadcast %get3A_13 : vector<16x1xf32> to vector<16x3200xf32>
    %add3A_65 = arith.addf %add3A_63, %add3A_64 : vector<16x3200xf32>
    %swap3A_66 = arith.constant 0 : index
    %swap3A_67 = arith.constant 0 : index
    %swap3A_68 = vector.load %arg12[%swap3A_66, %swap3A_67] : memref<16x3200xf32, #tpu.memory_space<vmem>>, vector<16x3200xf32>
    tpu.vector_store %arg12[%swap3A_66, %swap3A_67], %add3A_65 {strides = array<i32>} : memref<16x3200xf32, #tpu.memory_space<vmem>>, vector<16x3200xf32>,
    %get3A_69 = arith.constant 0 : index
    %get3A_70 = arith.constant 0 : index
    %get3A_71 = vector.load %arg5[%get3A_69, %get3A_70] : memref<16x3200xf32, #tpu.memory_space<vmem>>, vector<16x3200xf32>
    %slice3A_72 = vector.extract_strided_slice %transpose3A {offsets = [96, 0], sizes = [32, 3200], strides = [1, 1]} : vector<128x3200xf32> to vector<32x3200xf32>
    %dot_general3A_73 = arith.constant dense<0.000000e+00> : vector<32x3200xf32>
    %dot_general3A_74 = tpu.matmul %get3A_4, %get3A_71, %dot_general3A_73 {dimension_numbers = #tpu.dot_dimension_numbers<[1], [0], [0], [1], [0, 0, 1, 1], [], []>, transpose_lhs_hint = false} : vector<32x16xf32>, vector<16x3200xf32>, vector<32x3200xf32> -> vector<32x3200xf32>
    %add3A_75 = arith.addf %slice3A_72, %dot_general3A_74 : vector<32x3200xf32>
    %add3A_76 = vector.broadcast %get3A_10 : vector<32x1xf32> to vector<32x3200xf32>
    %add3A_77 = arith.addf %add3A_75, %add3A_76 : vector<32x3200xf32>
    %max3A_78 = arith.constant 0.000000e+00 : f32
    %max3A_79 = vector.broadcast %max3A_78 : f32 to vector<32x3200xf32>
    %max3A_80 = arith.maximumf %add3A_77, %max3A_79 : vector<32x3200xf32>
    %dot_general3A_81 = arith.constant dense<0.000000e+00> : vector<16x3200xf32>
    %dot_general3A_82 = tpu.matmul %get3A_7, %max3A_80, %dot_general3A_81 {dimension_numbers = #tpu.dot_dimension_numbers<[1], [0], [0], [1], [0, 0, 1, 1], [], []>, transpose_lhs_hint = false} : vector<16x32xf32>, vector<32x3200xf32>, vector<16x3200xf32> -> vector<16x3200xf32>
    %add3A_83 = arith.addf %get3A_71, %dot_general3A_82 : vector<16x3200xf32>
    %add3A_84 = vector.broadcast %get3A_13 : vector<16x1xf32> to vector<16x3200xf32>
    %add3A_85 = arith.addf %add3A_83, %add3A_84 : vector<16x3200xf32>
    %swap3A_86 = arith.constant 0 : index
    %swap3A_87 = arith.constant 0 : index
    %swap3A_88 = vector.load %arg13[%swap3A_86, %swap3A_87] : memref<16x3200xf32, #tpu.memory_space<vmem>>, vector<16x3200xf32>
    tpu.vector_store %arg13[%swap3A_86, %swap3A_87], %add3A_85 {strides = array<i32>} : memref<16x3200xf32, #tpu.memory_space<vmem>>, vector<16x3200xf32>,
    return
  }
  func.func @transform_0(%arg0: i32) -> (i32, i32) {
    %c0_i32 = arith.constant 0 : i32
    %c0_i32_0 = arith.constant 0 : i32
    return %arg0, %c0_i32 : i32, i32
  }
  func.func @transform_1(%arg0: i32) -> (i32, i32) {
    %add3A = arith.constant 0 : i32
    %add3A_0 = arith.addi %arg0, %add3A : i32
    %c0_i32 = arith.constant 0 : i32
    %c0_i32_1 = arith.constant 0 : i32
    return %c0_i32, %add3A_0 : i32, i32
  }
  func.func @transform_2(%arg0: i32) -> (i32, i32) {
    %add3A = arith.constant 25 : i32
    %add3A_0 = arith.addi %arg0, %add3A : i32
    %c0_i32 = arith.constant 0 : i32
    %c0_i32_1 = arith.constant 0 : i32
    return %c0_i32, %add3A_0 : i32, i32
  }
  func.func @transform_3(%arg0: i32) -> (i32, i32) {
    %add3A = arith.constant 50 : i32
    %add3A_0 = arith.addi %arg0, %add3A : i32
    %c0_i32 = arith.constant 0 : i32
    %c0_i32_1 = arith.constant 0 : i32
    return %c0_i32, %add3A_0 : i32, i32
  }
  func.func @transform_4(%arg0: i32) -> (i32, i32) {
    %add3A = arith.constant 75 : i32
    %add3A_0 = arith.addi %arg0, %add3A : i32
    %c0_i32 = arith.constant 0 : i32
    %c0_i32_1 = arith.constant 0 : i32
    return %c0_i32, %add3A_0 : i32, i32
  }
  func.func @transform_5(%arg0: i32) -> (i32, i32) {
    %c0_i32 = arith.constant 0 : i32
    %c0_i32_0 = arith.constant 0 : i32
    %c0_i32_1 = arith.constant 0 : i32
    return %c0_i32, %c0_i32_0 : i32, i32
  }
  func.func @transform_6(%arg0: i32) -> (i32, i32) {
    %c0_i32 = arith.constant 0 : i32
    %c0_i32_0 = arith.constant 0 : i32
    %c0_i32_1 = arith.constant 0 : i32
    return %c0_i32, %c0_i32_0 : i32, i32
  }
  func.func @transform_7(%arg0: i32) -> (i32, i32) {
    %c0_i32 = arith.constant 0 : i32
    %c0_i32_0 = arith.constant 0 : i32
    %c0_i32_1 = arith.constant 0 : i32
    return %c0_i32, %c0_i32_0 : i32, i32
  }
  func.func @transform_8(%arg0: i32) -> (i32, i32) {
    %c0_i32 = arith.constant 0 : i32
    %c0_i32_0 = arith.constant 0 : i32
    %c0_i32_1 = arith.constant 0 : i32
    return %c0_i32, %c0_i32_0 : i32, i32
  }
  func.func @transform_9(%arg0: i32) -> (i32, i32) {
    %c0_i32 = arith.constant 0 : i32
    %c0_i32_0 = arith.constant 0 : i32
    return %c0_i32, %arg0 : i32, i32
  }
  func.func @transform_10(%arg0: i32) -> (i32, i32) {
    %c0_i32 = arith.constant 0 : i32
    %c0_i32_0 = arith.constant 0 : i32
    return %c0_i32, %arg0 : i32, i32
  }
  func.func @transform_11(%arg0: i32) -> (i32, i32) {
    %c0_i32 = arith.constant 0 : i32
    %c0_i32_0 = arith.constant 0 : i32
    return %c0_i32, %arg0 : i32, i32
  }
  func.func @transform_12(%arg0: i32) -> (i32, i32) {
    %c0_i32 = arith.constant 0 : i32
    %c0_i32_0 = arith.constant 0 : i32
    return %c0_i32, %arg0 : i32, i32
  }
}

</mosaic_0001>

<sc_bundles>
// kernel: kernel.5.cloned.1.call-start
scs
__scs_entry_jumppad:
0x0: {  	(pc) =	sbr.rel $0x88, $3  }
0x1: {  	(tag) =	ssettag $0x0;
	lr =	simm.s32 $0x1  }
0x2: {  	[smem:$0x3F9A] =	sst lr;
	_ =	strace $0xD0000000  }
0x3: {  	_ = 	snop  }
0x4: {  	_ = 	snop  }
0x5: {  	_ = 	snop  }
0x6: {  	_ = 	snop  }
0x7: {  	_ = 	snop  }
__scs_overlays_trampoline_lowered:
0x8: {  	[smem:$0x3FA9] =	sst s0  }
0x9: {  	[smem:$0x3FAA] =	sst s1  }
0xa: {  	[smem:$0x3FAB] =	sst s2  }
0xb: {  	[smem:$0x3FAC] =	sst s3  }
0xc: {  	[smem:$0x3FAD] =	sst s4  }
0xd: {  	[smem:$0x3FAE] =	sst s5  }
0xe: {  	[smem:$0x3FAF] =	sst s6  }
0xf: {  	[smem:$0x3FB0] =	sst s7  }
0x10: {  	[smem:$0x3FB1] =	sst s8  }
0x11: {  	[smem:$0x3FB2] =	sst s9;
	s0 =	simm.s32 @!p0 $0x0  }
0x12: {  	s1 =	sld [smem:$0x3F98];
	s0 =	simm.s32 @p0 $0x1  }
0x13: {  	[smem:$0x3FB3] =	sst s0;
	s0 =	simm.s32 @!p1 $0x0  }
0x14: {  	s2 =	sld [smem:$0x3F97];
	s0 =	simm.s32 @p1 $0x1  }
0x15: {  	[smem:$0x3FB4] =	sst s0;
	s0 =	simm.s32 @!p2 $0x0  }
0x16: {  	s3 =	sld [smem:$0x3FDB];
	s0 =	simm.s32 @p2 $0x1  }
0x17: {  	s4 =	simm.s32 $0x1BF5;
	[smem:$0x3FB6] =	sst s0  }
0x18: {  	s0 =	sld [smem:$0x3F99];
	_ =	swait.ge [sflag:s4], $0x0  }
0x19: {  	s7 =	sld [smem:$0x3F9A]  }
0x1a: {  	s8 =	sadd.s32 $0xFFFFE003, lr  }
0x1b: {  	s9 =	sadd.s32 $0xFFFFFEF7, lr;
	s5 =	simm.s32 $0xFFFFFFFF;
	p2 =	slt.u32 s8, $0xFFFFF086  }
0x1c: {  	p1 =	slt.u32 s9, $0xF7A;
	s5 =	simm.s32 @!p2 $0x0  }
0x1d: {  	s5 =	simm.s32 @p1 $0x1;
	p0 =	seq.s32 s7, s2  }
0x1e: {  	s7 =	smul.u32 @!p0 $0xF7A, s2;
	p2 =	seq.s32 @!p0 s5, $0x0  }
0x1f: {  	s9 =	smul.u32 $0xF7A, s1;
	s8 =	simm.s32 @!p0 $0x1BF5;
	p2 =	por !p2, p0  }
0x20: {  	[sflag:s8] =	ssyncset.s32 @!p0 $0xFFFFF086;
	s6 =	sadd.s32 @!p0 s3, s7;
	s7 =	simm.s32 @!p0 $0x108  }
0x21: {  	s3 =	sadd.s32 s3, s9;
	s6 =	sadd.s32 @!p0 $0x88, s6;
	s7 =	simm.s32 @p2 $0x1082  }
0x22: {  	[simem:s7], [sflag:s8] =	dma.local @!p0 [hbm:s6], $0xF7A  }
0x23: {  	s9 =	sor.u32 $0xD0000000, s2;
	s6 =	simm.s32 $0x108;
	_ =	swait.ge @!p0 [sflag:s8], $0x0  }
0x24: {  	s3 =	sadd.s32 $0x88, s3;
	s6 =	simm.s32 @!p1 $0x1082;
	[sflag:s4] =	ssyncset.s32 $0xFFFFF086  }
0x25: {  	[simem:s6], [sflag:s4] =	dma.local [hbm:s3], $0xF7A  }
0x26: {  	[smem:$0x3F9A] =	sst s1;
	(tag) =	ssettag s2;
	_ =	strace s9  }
0x27: {  	s1 =	sld [smem:$0x3FAA]  }
0x28: {  	s2 =	sld [smem:$0x3FAB]  }
0x29: {  	s4 =	sld [smem:$0x3FAD]  }
0x2a: {  	p0 =	seq.s32 s5, $0x0;
	s5 =	sld [smem:$0x3FAE]  }
0x2b: {  	s6 =	sld [smem:$0x3FAF]  }
0x2c: {  	s7 =	sld [smem:$0x3FB0]  }
0x2d: {  	s3 =	simm.s32 $0x108;
	s8 =	sld [smem:$0x3FB1]  }
0x2e: {  	s3 =	simm.s32 @!p0 $0x1082;
	s9 =	sld [smem:$0x3FB2]  }
0x2f: {  	lr =	sadd.s32 s0, s3;
	s0 =	sld [smem:$0x3FA9]  }
0x30: {  	s3 =	sld [smem:$0x3FAC]  }
0x31: {  	[smem:$0x3FB5] =	sst s10  }
0x32: {  	s10 =	sld [smem:$0x3FB3];
	_ =	sdelay $0x3  }
0x33: {  	p0 =	seq.s32 s10, $0x1;
	s10 =	sld [smem:$0x3FB5];
	_ =	sdelay $0x3  }
0x34: {  	[smem:$0x3FB5] =	sst s10  }
0x35: {  	s10 =	sld [smem:$0x3FB4];
	_ =	sdelay $0x3  }
0x36: {  	p1 =	seq.s32 s10, $0x1;
	s10 =	sld [smem:$0x3FB5];
	_ =	sdelay $0x3  }
0x37: {  	[smem:$0x3FB5] =	sst s10  }
0x38: {  	s10 =	sld [smem:$0x3FB6]  }
0x39: {  	_ = 	snop;
	(pc) =	sbr.ind lr, $3  }
0x3a: {  	_ = 	snop  }
0x3b: {  	_ = 	snop  }
0x3c: {  	p2 =	seq.s32 s10, $0x1;
	s10 =	sld [smem:$0x3FB5]  }
0x3d: {  	_ =	shalt  }
0x3e: {  	_ =	shalt  }
0x3f: {  	_ =	shalt  }
0x40: {  	_ =	shalt  }
0x41: {  	_ =	shalt  }
0x42: {  	_ =	shalt  }
0x43: {  	_ =	shalt  }
0x44: {  	_ =	shalt  }
0x45: {  	_ =	shalt  }
0x46: {  	_ =	shalt  }
0x47: {  	_ =	shalt  }
0x48: {  	_ =	shalt  }
0x49: {  	_ =	shalt  }
0x4a: {  	_ =	shalt  }
0x4b: {  	_ =	shalt  }
0x4c: {  	_ =	shalt  }
0x4d: {  	_ =	shalt  }
0x4e: {  	_ =	shalt  }
0x4f: {  	_ =	shalt  }
0x50: {  	_ =	shalt  }
0x51: {  	_ =	shalt  }
0x52: {  	_ =	shalt  }
0x53: {  	_ =	shalt  }
0x54: {  	_ =	shalt  }
0x55: {  	_ =	shalt  }
0x56: {  	_ =	shalt  }
0x57: {  	_ =	shalt  }
0x58: {  	_ =	shalt  }
0x59: {  	_ =	shalt  }
0x5a: {  	_ =	shalt  }
0x5b: {  	_ =	shalt  }
0x5c: {  	_ =	shalt  }
0x5d: {  	_ =	shalt  }
0x5e: {  	_ =	shalt  }
0x5f: {  	_ =	shalt  }
0x60: {  	_ =	shalt  }
0x61: {  	_ =	shalt  }
0x62: {  	_ =	shalt  }
0x63: {  	_ =	shalt  }
0x64: {  	_ =	shalt  }
0x65: {  	_ =	shalt  }
0x66: {  	_ =	shalt  }
0x67: {  	_ =	shalt  }
0x68: {  	_ =	shalt  }
0x69: {  	_ =	shalt  }
0x6a: {  	_ =	shalt  }
0x6b: {  	_ =	shalt  }
0x6c: {  	_ =	shalt  }
0x6d: {  	_ =	shalt  }
0x6e: {  	_ =	shalt  }
0x6f: {  	_ =	shalt  }
0x70: {  	_ =	shalt  }
0x71: {  	_ =	shalt  }
0x72: {  	_ =	shalt  }
0x73: {  	_ =	shalt  }
0x74: {  	_ =	shalt  }
0x75: {  	_ =	shalt  }
0x76: {  	_ =	shalt  }
0x77: {  	_ =	shalt  }
0x78: {  	_ =	shalt  }
0x79: {  	_ =	shalt  }
0x7a: {  	_ =	shalt  }
0x7b: {  	_ =	shalt  }
0x7c: {  	_ =	shalt  }
0x7d: {  	_ =	shalt  }
0x7e: {  	_ =	shalt  }
0x7f: {  	_ =	shalt  }
0x80: {  	_ =	shalt  }
0x81: {  	_ =	shalt  }
0x82: {  	_ =	shalt  }
0x83: {  	_ =	shalt  }
0x84: {  	_ =	shalt  }
0x85: {  	_ =	shalt  }
0x86: {  	_ =	shalt  }
0x87: {  	_ =	shalt  }
.Lfunc_end0:
.L_simem_size_0:
called_computation_lowered:
.L_overlay_start_0:
0x88: {  	s2 =	sld [smem:$0x3FD9]  }
0x89: {  	s3 =	sld [smem:$0x3FFE];
	_ =	sdelay $0x1  }
0x8a: {  	s1 =	srdreg.scid  }
0x8b: {  	s0 =	sand.u32 $0x1, s1  }
0x8c: {  	s17 =	sshll.u32 s0, $0xA;
	s2 =	sadd.s32 s3, s2  }
0x8d: {  	s2 =	sadd.s32 s2, s17  }
0x8e: {  	[smem:$0x3FC1] =	sst s2  }
0x8f: {  	_ = 	snop  }
0x90: {  	s2 =	sld [smem:$0x3FD0];
	(tm) =	ssettm $0x1  }
0x91: {  	s18 =	sld [smem:$0x3FFB];
	_ =	sdelay $0x3  }
0x92: {  	_ =	strace s18  }
0x93: {  	s3 =	sld [smem:$0x3FFC];
	_ =	sdelay $0x3  }
0x94: {  	_ =	strace s3  }
0x95: {  	s3 =	sld [smem:$0x3FFD];
	_ =	sdelay $0x3  }
0x96: {  	_ =	strace s3  }
0x97: {  	_ =	strace $0x8FFFFFFF  }
0x98: {  	s19 =	sld [smem:$0x3FDB];
	_ =	sdelay $0x1  }
0x99: {  	s4 =	simm.s32 $_scs_section_size  }
0x9a: {  	s5 =	simm.s32 $_size__tile_overlayer_lowered;
	s6 =	simm.s32 $_tile_overlayer_lowered  }
0x9b: {  	s22 =	simm.s32 $0x1BFF;
	s21 =	sshll.u32 s6, $0x1;
	s3 =	sadd.s32 s4, s19  }
0x9c: {  	s7 =	simm.s32 $0x0;
	s20 =	sshll.u32 s5, $0x1;
	s5 =	sadd.s32 s21, s3  }
0x9d: {  	[timem:s7], [sflag:s22] =	dma.local [hbm:s5], s20  }
0x9e: {  	_ =	swait.ge [sflag:s22], s20  }
0x9f: {  	s4 =	ssub.s32 $0x0, s20;
	[sflag:s22] =	ssyncset.done $0x0  }
0xa0: {  	[sflag:s22] =	ssyncadd.s32 s4;
	_ =	sdelay $0x1  }
0xa1: {  	s23 =	simm.s32 $0x1B8B  }
0xa2: {  	_ =	swait.ge [sflag:s23], $0x1  }
0xa3: {  	[sflag:s23] =	ssyncset.done $0x0  }
0xa4: {  	s25 =	simm.s32 $0x1B8E;
	s24 =	sld [smem:$0x3FFE];
	[sflag:s23] =	ssyncadd.s32 $0xFFFFFFFF  }
0xa5: {  	s26 =	simm.s32 $execute0_lowered;
	[smem:$0x3FD2] =	sst s25  }
0xa6: {  	s5 =	sshll.u32 s26, $0x1;
	_ =	strace $0x80000046;
	[dreg:$0x1] =	wrdreg $0xFFFFFFFF  }
0xa7: {  	s28 =	simm.s32 $_size_execute0_lowered;
	s3 =	sadd.s32 s3, s5;
	[dreg:$0x0] =	wrdreg $0x0  }
0xa8: {  	s5 =	sshll.u32 s28, $0x1;
	[dreg:$0x2] =	wrdreg s3  }
0xa9: {  	[dreg:$0x3] =	wrdreg s5  }
0xaa: {  	[dreg:$0x4] =	wrdreg $0xC0  }
0xab: {  	_ =	task [dreg:s7], $0x5FFFF  }
0xac: {  	[dreg:$0x1] =	wrdreg $0xFFFFFFFF  }
0xad: {  	[dreg:$0x0] =	wrdreg $0x60  }
0xae: {  	[dreg:$0x2] =	wrdreg s2  }
0xaf: {  	[dreg:$0x3] =	wrdreg s24  }
0xb0: {  	[dreg:$0x4] =	wrdreg $0x9  }
0xb1: {  	_ =	task.clear_ibuf [dreg:s7], $0x5FFFF;
	_ =	strace $0x90000046  }
0xb2: {  	s29 =	simm.s32 $0x9;
	_ =	strace $0x80000048  }
0xb3: {  	_ =	swait.ge [sflag:s29], $0x1  }
0xb4: {  	[sflag:s29] =	ssyncadd.s32 $0xFFFFFFFF  }
0xb5: {  	_ =	strace $0x90000048  }
0xb6: {  	_ =	sfence  }
0xb7: {  	s30 =	sld [smem:$0x0];
	_ =	sdelay $0x2  }
0xb8: {  	s31 =	sshll.u32 s1, $0xD;
	s1 =	sshrl.u32 s1, $0x2  }
0xb9: {  	s3 =	sand.u32 $0x4000, s31;
	s1 =	sadd.s32 s1, s30  }
0xba: {  	s0 =	sor.u32 s3, s0;
	s1 =	sshll.u32 s1, $0x11  }
0xbb: {  	s0 =	sor.u32 s1, s0  }
0xbc: {  	s0 =	sadd.s32 $0x8F2B, s0  }
0xbd: {  	[sflag:s0] =	ssyncadd.remote.s32 $0x1  }
0xbe: {  	_ =	sfence.sel $0xFFFF  }
0xbf: {  	[dreg:$0x0] =	wrdreg $0xFFFFFFFF;
	(pc) =	sbr.abs _section_cstart, $3  }
0xc0: {  	[dreg:$0x1] =	wrdreg $0xFFFFFFFF  }
0xc1: {  	_ =	task.clear_ibuf [dreg:s7], $0x2FFFF;
	_ =	strace $0x9FFFFFFF  }
0xc2: {  	(tm) =	ssettm $0x7FFFFFFF  }
0xc3: {  	_ =	shalt  }
tec
execute0_lowered:
.L_overlay_start_1:
0x0: {  	(tag) =	ssettag $0x1  }
0x1: {  	s0 =	srdreg.scid  }
0x2: {  	s7 =	stileid.u32;
	s2 =	rddreg [dreg:$0x1]  }
0x3: {  	s3 =	simm.s32 $0x0;
	s0 =	sand.u32 $0x1, s0;
	s1 =	sshll.u32 s7, $0x1  }
0x4: {  	[smem:$0x7FF] =	sst s3;
	s22 =	sadd.s32 $0x14600, s2;
	s5 =	smul.u32 $0x1388, s7  }
0x5: {  	s1 =	sor.u32 s0, s1;
	s4 =	ssub.s32 $0x2, s0;
	s0 =	smul.u32 $0x9C4, s0  }
0x6: {  	s26 =	sshrl.u32 s7, $0x2;
	_ =	strace $0x80000047;
	s1 =	smul.u32 $0x9C4, s1  }
0x7: {  	[dreg:$0x3] =	wrdreg s22;
	s28 =	smul.u32 $0x9C3FE0, s26;
	s6 =	sshrl.u32 s4, $0x1  }
0x8: {  	s24 =	ssub.s32 s4, s6;
	s0 =	sadd.s32 s0, s5;
	s23 =	sshrl.u32 s1, $0x1  }
0x9: {  	s25 =	sshrl.u32 s1, $0x5;
	s1 =	sadd.s32 $0x9C4, s1;
	s0 =	sshll.u32 s0, $0x9  }
0xa: {  	s31 =	smax.u32 s24, $0x1;
	s3 =	sand.u32 $0xFFF0, s23;
	s1 =	sshrl.u32 s1, $0x5  }
0xb: {  	[dreg:$0x13] =	wrdreg s31;
	s3 =	sadd.s32 s3, s2;
	s2 =	sadd.s32 $0x1E400, s2  }
0xc: {  	s0 =	sand.u32 $0x7FFC000, s0;
	s1 =	ssub.s32 s1, s25;
	[dreg:$0x4] =	wrdreg s2  }
0xd: {  	s0 =	ssub.s32 s0, s28;
	[dreg:$0x5] =	wrdreg s1  }
0xe: {  	s29 =	sadd.s32 $0xA800, s3;
	[dreg:$0x14] =	wrdreg s0  }
0xf: {  	s30 =	sadd.s32 $0xA00, s3;
	[dreg:$0x11] =	wrdreg s29  }
0x10: {  	s2 =	simm.s32 $0x0;
	[dreg:$0x12] =	wrdreg s30  }
.LBB2_1:
0x11: {  	[dreg:$0x15] =	wrdreg s2  }
0x12: {  	s0 =	simm.s32 $0x0;
	s1 =	rddreg [dreg:$0x11];
	s14 =	simm.s32 $0x19  }
0x13: {  	[tilespmem:s0], [sflag:$0x19] =	stream.linear.gather [hbm4b:s1+s0], $0x2780, $0x38;
	[tilespmem:$0xCF00] =	vst v63  }
0x14: {  	_ =	swait.ge [sflag:s14], $0x2780  }
0x15: {  	[sflag:s14] =	ssyncset.done $0x0  }
0x16: {  	s3 =	simm.s32 $0x2780;
	s15 =	rddreg [dreg:$0x12];
	[sflag:s14] =	ssyncadd.s32 $0xFFFFD880  }
0x17: {  	[tilespmem:s3], [sflag:$0x19] =	stream.linear.gather [hbm4b:s15+s0], $0x2780, $0x38;
	[tilespmem:$0xCF00] =	vst v63  }
0x18: {  	_ =	swait.ge [sflag:s14], $0x2780  }
0x19: {  	[sflag:s14] =	ssyncset.done $0x0  }
0x1a: {  	[sflag:s14] =	ssyncadd.s32 $0xFFFFD880  }
0x1b: {  	s16 =	simm.s32 $0x80;
	s17 =	simm.s32 $0x4F00;
	s14 =	rddreg [dreg:$0x0]  }
0x1c: {  	[tilespmem:s17], [sflag:$0x1] =	stream.indirect.gather [hbm4b:s14+s16], $0x20, s0, s16, $0xb8;
	[tilespmem:$0xCF00] =	vst v63  }
0x1d: {  	s18 =	simm.s32 $0x5F00  }
0x1e: {  	[tilespmem:s18], [sflag:$0x2] =	stream.indirect.gather [hbm4b:s14+s16], $0x20, s16, s16, $0xb8;
	[tilespmem:$0xCF00] =	vst v63  }
0x1f: {  	s4 =	simm.s32 $0x100;
	s5 =	simm.s32 $0x6F00  }
0x20: {  	[tilespmem:s5], [sflag:$0x3] =	stream.indirect.gather [hbm4b:s14+s16], $0x20, s4, s16, $0xb8;
	[tilespmem:$0xCF00] =	vst v63  }
0x21: {  	s19 =	simm.s32 $0x180;
	s20 =	simm.s32 $0x7F00;
	s21 =	simm.s32 $0x1  }
0x22: {  	[tilespmem:s20], [sflag:$0x4] =	stream.indirect.gather [hbm4b:s14+s16], $0x20, s19, s16, $0xb8;
	[tilespmem:$0xCF00] =	vst v63  }
0x23: {  	_ =	swait.ge [sflag:s21], $0x1000  }
0x24: {  	s22 =	simm.s32 $0x2;
	[sflag:s21] =	ssyncset.done $0x0  }
0x25: {  	s24 =	simm.s32 $0x1000;
	s6 =	rddreg [dreg:$0x3];
	[sflag:s21] =	ssyncadd.s32 $0xFFFFF000  }
0x26: {  	[tilespmem:s17], [sflag:$0x9] =	stream.indirect.gather.add.f32 [hbm:s6], $0x20, s3, s16, $0xb8;
	[tilespmem:$0xCF00] =	vst v63  }
0x27: {  	s25 =	simm.s32 $0xB;
	_ =	swait.ge [sflag:s22], $0x1000;
	[dreg:$0x6] =	wrdreg s24  }
0x28: {  	s23 =	simm.s32 $0x2800;
	s26 =	simm.s32 $0x2000;
	[dreg:$0x7] =	wrdreg s25  }
0x29: {  	s30 =	simm.s32 $0xB;
	[sflag:s22] =	ssyncset.done $0x0;
	s19 =	rddreg [dreg:$0x5]  }
0x2a: {  	s17 =	simm.s32 $0x8;
	s0 =	rddreg [dreg:$0x14];
	[sflag:s22] =	ssyncadd.s32 $0xFFFFF000  }
0x2b: {  	p3 =	sle.s32 s19, $0x0;
	p1 =	sle.s32 s19, $0x1;
	p0 =	sle.s32 s19, $0x4  }
0x2c: {  	p2 =	sle.s32 s19, $0x2;
	p6 =	sle.s32 s19, $0x5;
	p5 =	sle.s32 s19, $0x8  }
0x2d: {  	[tilespmem:s18], [sflag:$0xA] =	stream.indirect.gather.add.f32 [hbm:s6], $0x20, s23, s16, $0xb8;
	[tilespmem:$0xCF00] =	vst v63  }
0x2e: {  	s22 =	simm.s32 $0x13;
	s31 =	sadd.s32 $0x20000, s0;
	s1 =	sadd.s32 @!p1 $0x4000, s0  }
0x2f: {  	s2 =	sadd.s32 @!p2 $0x8000, s0;
	s3 =	simm.s32 @!p0 $0x200;
	s4 =	sshrl.u32 @!p3 s0, $0x3  }
0x30: {  	s5 =	simm.s32 @!p3 $0x9;
	s16 =	rddreg [dreg:$0x4];
	p4 =	por @!p0 $0x1, $0x1  }
0x31: {  	s7 =	simm.s32 @!p3 $0x20;
	s8 =	simm.s32 @!p3 $0x80;
	s9 =	simm.s32 @!p2 $0x3  }
0x32: {  	s11 =	simm.s32 @!p1 $0xA;
	s12 =	simm.s32 @!p1 $0x20;
	_ =	swait.ge @!p3 [sflag:s5], $0x1000  }
0x33: {  	s15 =	simm.s32 @!p2 $0xB;
	s21 =	simm.s32 @!p6 $0x80;
	[sflag:s5] =	ssyncset.done @!p3 $0x0  }
0x34: {  	s4 =	sadd.s32 @!p3 s16, s4;
	[sflag:s5] =	ssyncadd.s32 @!p3 $0xFFFFF000;
	s5 =	simm.s32 @!p3 $0x4F00  }
0x35: {  	[hbm4b:s4+s7] =	stream.strided.scatter @!p3 [tilespmem:s5], [sflag:$0x11], $0x1000, s8, s7, $0x38;
	[tilespmem:$0xCF00] =	vst v63  }
0x36: {  	s23 =	simm.s32 @!p6 $0x9F00;
	s4 =	simm.s32 @!p2 $0x2880;
	_ =	swait.ge @!p2 [sflag:s9], $0x1000  }
0x37: {  	p3 =	por p4, p0;
	s8 =	simm.s32 @!p2 $0x80;
	[sflag:s9] =	ssyncset.done @!p2 $0x0  }
0x38: {  	s7 =	simm.s32 @!p3 $0x15;
	[sflag:s9] =	ssyncadd.s32 @!p2 $0xFFFFF000;
	s9 =	simm.s32 @!p2 $0x6F00  }
0x39: {  	[tilespmem:s9], [sflag:$0xB] =	stream.indirect.gather.add.f32 @!p2 [hbm:s6], $0x20, s4, s8, $0xb8;
	[tilespmem:$0xCF00] =	vst v63  }
0x3a: {  	s1 =	sshrl.u32 @!p1 s1, $0x3;
	s2 =	sshrl.u32 @!p2 s2, $0x3;
	_ =	swait.ge @!p3 [sflag:s7], $0x1000  }
0x3b: {  	s10 =	sadd.s32 @!p1 s16, s1;
	s1 =	simm.s32 @!p0 $0x8F00;
	[sflag:s7] =	ssyncset.done @!p3 $0x0  }
0x3c: {  	s5 =	sadd.s32 @!p2 s16, s2;
	s2 =	simm.s32 @!p0 $0x80;
	[sflag:s7] =	ssyncadd.s32 @!p3 $0xFFFFF000  }
0x3d: {  	[tilespmem:s1], [sflag:$0x5] =	stream.indirect.gather @!p0 [hbm4b:s14+s2], $0x20, s3, s2, $0xb8;
	[tilespmem:$0xCF00] =	vst v63  }
0x3e: {  	s18 =	simm.s32 @!p6 $0x20;
	s29 =	simm.s32 @!p5 $0x4F00;
	_ =	swait.ge @!p1 [sflag:s11], $0x1000  }
0x3f: {  	p3 =	sle.s32 s19, $0x3;
	s7 =	simm.s32 @!p1 $0x80;
	[sflag:s11] =	ssyncset.done @!p1 $0x0  }
0x40: {  	s3 =	simm.s32 @!p1 $0x5F00;
	[sflag:s11] =	ssyncadd.s32 @!p1 $0xFFFFF000;
	s11 =	simm.s32 @!p3 $0x4  }
0x41: {  	[hbm4b:s10+s12] =	stream.strided.scatter @!p1 [tilespmem:s3], [sflag:$0x12], $0x1000, s7, s12, $0x38;
	[tilespmem:$0xCF00] =	vst v63  }
0x42: {  	p4 =	por @!p6 $0x1, $0x1;
	s7 =	simm.s32 @!p3 $0x80;
	_ =	swait.ge @!p3 [sflag:s11], $0x1000  }
0x43: {  	s10 =	simm.s32 @!p3 $0x7F00;
	p1 =	por p4, p6;
	[sflag:s11] =	ssyncset.done @!p3 $0x0  }
0x44: {  	s12 =	simm.s32 @!p3 $0x2900;
	s13 =	simm.s32 @!p1 $0x16;
	[sflag:s11] =	ssyncadd.s32 @!p3 $0xFFFFF000  }
0x45: {  	[tilespmem:s10], [sflag:$0xC] =	stream.indirect.gather.add.f32 @!p3 [hbm:s6], $0x20, s12, s7, $0xb8;
	[tilespmem:$0xCF00] =	vst v63  }
0x46: {  	s4 =	simm.s32 @!p0 $0x2980;
	s3 =	sadd.s32 @!p0 $0x10000, s0;
	_ =	swait.ge @!p1 [sflag:s13], $0x1000  }
0x47: {  	p4 =	sle.s32 s19, $0x9;
	s3 =	sshrl.u32 @!p0 s3, $0x3;
	[sflag:s13] =	ssyncset.done @!p1 $0x0  }
0x48: {  	s11 =	simm.s32 @!p6 $0x280;
	s12 =	sadd.s32 @!p6 $0x14000, s0;
	[sflag:s13] =	ssyncadd.s32 @!p1 $0xFFFFF000  }
0x49: {  	[tilespmem:s23], [sflag:$0x6] =	stream.indirect.gather @!p6 [hbm4b:s14+s21], $0x20, s11, s21, $0xb8;
	[tilespmem:$0xCF00] =	vst v63  }
0x4a: {  	p1 =	sle.s32 s19, $0x6;
	s11 =	sshrl.u32 @!p6 s12, $0x3;
	_ =	swait.ge @!p2 [sflag:s15], $0x1000  }
0x4b: {  	s13 =	simm.s32 @!p2 $0x20;
	s20 =	sadd.s32 @!p6 s16, s11;
	[sflag:s15] =	ssyncset.done @!p2 $0x0  }
0x4c: {  	s11 =	simm.s32 @!p0 $0x5;
	[dreg:$0x8] =	wrdreg s26;
	[sflag:s15] =	ssyncadd.s32 @!p2 $0xFFFFF000  }
0x4d: {  	[hbm4b:s5+s13] =	stream.strided.scatter @!p2 [tilespmem:s9], [sflag:$0x13], $0x1000, s8, s13, $0x38;
	[tilespmem:$0xCF00] =	vst v63  }
0x4e: {  	s24 =	simm.s32 @!p1 $0x80;
	p2 =	por @!p1 $0x1, $0x1;
	_ =	swait.ge @!p0 [sflag:s11], $0x1000  }
0x4f: {  	s5 =	sadd.s32 @!p0 s16, s3;
	p2 =	por p2, p1;
	[sflag:s11] =	ssyncset.done @!p0 $0x0  }
0x50: {  	s3 =	sadd.s32 @!p1 $0x18000, s0;
	s8 =	simm.s32 @!p2 $0x17;
	[sflag:s11] =	ssyncadd.s32 @!p0 $0xFFFFF000  }
0x51: {  	[tilespmem:s1], [sflag:$0xD] =	stream.indirect.gather.add.f32 @!p0 [hbm:s6], $0x20, s4, s2, $0xb8;
	[tilespmem:$0xCF00] =	vst v63  }
0x52: {  	s26 =	simm.s32 @!p1 $0xAF00;
	s3 =	sshrl.u32 @!p1 s3, $0x3;
	_ =	swait.ge @!p2 [sflag:s8], $0x1000  }
0x53: {  	s9 =	sadd.s32 @!p3 $0xC000, s0;
	s3 =	sadd.s32 @!p1 s16, s3;
	[sflag:s8] =	ssyncset.done @!p2 $0x0  }
0x54: {  	s11 =	simm.s32 @!p3 $0xC;
	s4 =	simm.s32 @!p1 $0x300;
	[sflag:s8] =	ssyncadd.s32 @!p2 $0xFFFFF000  }
0x55: {  	[tilespmem:s26], [sflag:$0x7] =	stream.indirect.gather @!p1 [hbm4b:s14+s24], $0x20, s4, s24, $0xb8;
	[tilespmem:$0xCF00] =	vst v63  }
0x56: {  	p2 =	sle.s32 s19, $0x7;
	s8 =	simm.s32 @!p6 $0x6;
	_ =	swait.ge @!p3 [sflag:s11], $0x1000  }
0x57: {  	s4 =	sshrl.u32 @!p3 s9, $0x3;
	s9 =	simm.s32 @!p3 $0x20;
	[sflag:s11] =	ssyncset.done @!p3 $0x0  }
0x58: {  	s4 =	sadd.s32 @!p3 s16, s4;
	[dreg:$0xb] =	wrdreg s3;
	[sflag:s11] =	ssyncadd.s32 @!p3 $0xFFFFF000  }
0x59: {  	[hbm4b:s4+s9] =	stream.strided.scatter @!p3 [tilespmem:s10], [sflag:$0x14], $0x1000, s7, s9, $0x38;
	[tilespmem:$0xCF00] =	vst v63  }
0x5a: {  	s12 =	simm.s32 @!p6 $0x2A00;
	p3 =	por @!p2 $0x1, $0x1;
	_ =	swait.ge @!p6 [sflag:s8], $0x1000  }
0x5b: {  	s25 =	simm.s32 @!p2 $0x80;
	p3 =	por p3, p2;
	[sflag:s8] =	ssyncset.done @!p6 $0x0  }
0x5c: {  	s7 =	sadd.s32 @!p2 $0x1C000, s0;
	s9 =	simm.s32 @!p3 $0x18;
	[sflag:s8] =	ssyncadd.s32 @!p6 $0xFFFFF000  }
0x5d: {  	[tilespmem:s23], [sflag:$0xE] =	stream.indirect.gather.add.f32 @!p6 [hbm:s6], $0x20, s12, s21, $0xb8;
	[tilespmem:$0xCF00] =	vst v63  }
0x5e: {  	s28 =	simm.s32 @!p2 $0xBF00;
	s7 =	sshrl.u32 @!p2 s7, $0x3;
	_ =	swait.ge @!p3 [sflag:s9], $0x1000  }
0x5f: {  	s4 =	simm.s32 @!p2 $0x380;
	s3 =	sadd.s32 @!p2 s16, s7;
	[sflag:s9] =	ssyncset.done @!p3 $0x0  }
0x60: {  	s8 =	simm.s32 @!p0 $0xD;
	[dreg:$0xc] =	wrdreg s3;
	[sflag:s9] =	ssyncadd.s32 @!p3 $0xFFFFF000  }
0x61: {  	[tilespmem:s28], [sflag:$0x8] =	stream.indirect.gather @!p2 [hbm4b:s14+s25], $0x20, s4, s25, $0xb8;
	[tilespmem:$0xCF00] =	vst v63  }
0x62: {  	s15 =	simm.s32 $0x12;
	s13 =	simm.s32 @!p1 $0x2A80;
	_ =	swait.ge @!p0 [sflag:s8], $0x1000  }
0x63: {  	s11 =	simm.s32 @!p2 $0x2B00;
	s10 =	simm.s32 @!p5 $0x2B80;
	[sflag:s8] =	ssyncset.done @!p0 $0x0  }
0x64: {  	s9 =	simm.s32 @!p0 $0x20;
	s4 =	simm.s32 @!p1 $0x7;
	[sflag:s8] =	ssyncadd.s32 @!p0 $0xFFFFF000  }
0x65: {  	[hbm4b:s5+s9] =	stream.strided.scatter @!p0 [tilespmem:s1], [sflag:$0x15], $0x1000, s2, s9, $0x38;
	[tilespmem:$0xCF00] =	vst v63  }
0x66: {  	s0 =	simm.s32 $0xD;
	s2 =	simm.s32 @!p1 $0x0;
	_ =	swait.ge @!p1 [sflag:s4], $0x1000  }
0x67: {  	s12 =	simm.s32 @!p5 $0x400;
	s2 =	simm.s32 @p1 $0x1;
	[sflag:s4] =	ssyncset.done @!p1 $0x0  }
0x68: {  	s1 =	simm.s32 @!p5 $0x11;
	[smem:$0x7FD] =	sst s2;
	[sflag:s4] =	ssyncadd.s32 @!p1 $0xFFFFF000  }
0x69: {  	[tilespmem:s26], [sflag:$0xF] =	stream.indirect.gather.add.f32 @!p1 [hbm:s6], $0x20, s13, s24, $0xb8;
	[tilespmem:$0xCF00] =	vst v63  }
0x6a: {  	p3 =	sle.s32 s19, $0xA;
	s19 =	simm.s32 @!p4 $0x480;
	_ =	swait.ge @!p5 [sflag:s1], $0x1000  }
0x6b: {  	s8 =	simm.s32 @!p3 $0x0;
	s9 =	simm.s32 @!p6 $0xE;
	[sflag:s1] =	ssyncset.done @!p5 $0x0  }
0x6c: {  	s5 =	simm.s32 @!p2 $0x8;
	[sflag:s1] =	ssyncadd.s32 @!p5 $0xFFFFF000;
	s1 =	simm.s32 @!p5 $0x80  }
0x6d: {  	[tilespmem:s29], [sflag:$0x1] =	stream.indirect.gather @!p5 [hbm4b:s14+s1], $0x20, s12, s1, $0xb8;
	[tilespmem:$0xCF00] =	vst v63  }
0x6e: {  	s2 =	simm.s32 @!p3 $0x6F00;
	s4 =	simm.s32 $0xC;
	_ =	swait.ge @!p6 [sflag:s9], $0x1000  }
0x6f: {  	s13 =	simm.s32 @!p4 $0x2C00;
	s12 =	simm.s32 $0x0;
	[sflag:s9] =	ssyncset.done @!p6 $0x0  }
.LBB2_2:
0x70: {  	[dreg:$0x10] =	wrdreg s22  }
0x71: {  	s16 =	rddreg [dreg:$0x5]  }
0x72: {  	s14 =	sadd.s32 $0x2, s17;
	[sflag:s9] =	ssyncadd.s32 @!p6 $0xFFFFF000;
	s9 =	smov.u32 s30  }
0x73: {  	s30 =	rddreg [dreg:$0x8];
	s22 =	smov.u32 s17;
	s6 =	smov.u32 s15  }
0x74: {  	p0 =	sge.s32 s17, s16;
	s7 =	smov.u32 s30;
	[dreg:$0x9] =	wrdreg s22  }
0x75: {  	[hbm4b:s20+s18] =	stream.strided.scatter @!p6 [tilespmem:s23], [sflag:$0x16], $0x1000, s21, s18, $0x38;
	[tilespmem:$0xCF00] =	vst v63  }
0x76: {  	[dreg:$0xa] =	wrdreg s6;
	s21 =	simm.s32 @!p4 $0x80;
	s18 =	simm.s32 @!p4 $0x5F00  }
0x77: {  	p1 =	sge.s32 s4, s16;
	p6 =	sge.s32 s14, s16;
	s3 =	simm.s32 @!p0 $0x0  }
0x78: {  	s30 =	sadd.s32 $0x1000, s30;
	[dreg:$0xe] =	wrdreg s7;
	s3 =	simm.s32 @p0 $0x1  }
0x79: {  	s7 =	sadd.s32 $0x1, s17;
	[smem:$0x7F9] =	sst s3;
	s3 =	simm.s32 @!p5 $0x0  }
0x7a: {  	p0 =	por p5, p5;
	_ =	swait.ge @!p2 [sflag:s5], $0x1000;
	s3 =	simm.s32 @p5 $0x1  }
0x7b: {  	s23 =	sadd.s32 @!p6 $0x8000, s31;
	s4 =	simm.s32 @!p0 $0x1;
	[smem:$0x7F7] =	sst s3  }
0x7c: {  	p0 =	por p2, p2;
	s3 =	simm.s32 @!p1 $0x0;
	s15 =	sld [smem:$0x7FD]  }
0x7d: {  	[sflag:s5] =	ssyncset.done @!p2 $0x0;
	s6 =	rddreg [dreg:$0x3];
	s3 =	simm.s32 @p1 $0x1  }
0x7e: {  	[sflag:s5] =	ssyncadd.s32 @!p2 $0xFFFFF000;
	s5 =	simm.s32 @!p4 $0x12;
	[smem:$0x7F8] =	sst s3  }
0x7f: {  	[tilespmem:s28], [sflag:$0x10] =	stream.indirect.gather.add.f32 @!p2 [hbm:s6], $0x20, s11, s25, $0xb8;
	[tilespmem:$0xCF00] =	vst v63  }
0x80: {  	p5 =	por p3, p3;
	p3 =	sge.s32 s7, s16;
	_ =	swait.ge @!p4 [sflag:s5], $0x1000  }
0x81: {  	s11 =	sadd.s32 @!p3 $0x4000, s31;
	s3 =	simm.s32 @!p3 $0x0;
	s7 =	sld [smem:$0x7F8]  }
0x82: {  	p1 =	seq.s32 s15, $0x1;
	s3 =	simm.s32 @p3 $0x1;
	[sflag:s5] =	ssyncset.done @!p4 $0x0  }
0x83: {  	s14 =	sshrl.u32 @!p3 s11, $0x3;
	[smem:$0x7FA] =	sst s3;
	[sflag:s5] =	ssyncadd.s32 @!p4 $0xFFFFF000  }
0x84: {  	s20 =	simm.s32 @!p1 $0xF;
	p2 =	seq.s32 s7, $0x1;
	s7 =	rddreg [dreg:$0x0]  }
0x85: {  	[tilespmem:s18], [sflag:$0x2] =	stream.indirect.gather @!p4 [hbm4b:s7+s21], $0x20, s19, s21, $0xb8;
	[tilespmem:$0xCF00] =	vst v63  }
0x86: {  	s15 =	simm.s32 @!p1 $0x20;
	s3 =	rddreg [dreg:$0x6];
	_ =	swait.ge @!p1 [sflag:s20], $0x1000  }
0x87: {  	s19 =	sshrl.u32 @!p6 s23, $0x3;
	[sflag:s20] =	ssyncset.done @!p1 $0x0;
	s22 =	rddreg [dreg:$0x4]  }
0x88: {  	s19 =	sadd.s32 @!p6 s22, s19;
	[sflag:s20] =	ssyncadd.s32 @!p1 $0xFFFFF000;
	s20 =	sld [smem:$0x7F7]  }
0x89: {  	s5 =	sshra.s32 @!p6 s3, $0x2;
	s11 =	sshra.s32 @!p2 s3, $0x2;
	[dreg:$0xf] =	wrdreg s19  }
0x8a: {  	s23 =	sadd.s32 @!p6 $0x2880, s5;
	s5 =	simm.s32 @!p5 $0x13;
	s19 =	rddreg [dreg:$0xb]  }
0x8b: {  	[hbm4b:s19+s15] =	stream.strided.scatter @!p1 [tilespmem:s26], [sflag:$0x17], $0x1000, s24, s15, $0x38;
	[tilespmem:$0xCF00] =	vst v63  }
0x8c: {  	s21 =	sadd.s32 @!p2 $0x200, s11;
	s26 =	sadd.s32 @!p3 s22, s14;
	p3 =	sge.s32 s0, s16  }
0x8d: {  	s11 =	sadd.s32 @!p2 $0x2980, s11;
	p2 =	seq.s32 s20, $0x1;
	p1 =	seq.s32 @!p3 s3, $0x0  }
0x8e: {  	s14 =	sshra.s32 @!p3 s3, $0x2;
	_ =	swait.ge @!p2 [sflag:s4], $0x1000;
	s0 =	simm.s32 @!p1 $0x0  }
0x8f: {  	s0 =	simm.s32 @p1 $0x1;
	[sflag:s4] =	ssyncset.done @!p2 $0x0;
	s24 =	sld [smem:$0x7F8]  }
0x90: {  	[smem:$0x7FB] =	sst s0;
	[sflag:s4] =	ssyncadd.s32 @!p2 $0xFFFFF000;
	s4 =	simm.s32 @!p5 $0x80  }
0x91: {  	[tilespmem:s29], [sflag:$0x9] =	stream.indirect.gather.add.f32 @!p2 [hbm:s6], $0x20, s10, s1, $0xb8;
	[tilespmem:$0xCF00] =	vst v63  }
0x92: {  	s10 =	sadd.s32 @!p3 $0x280, s14;
	s1 =	sadd.s32 @!p5 $0x500, s8;
	s8 =	sadd.s32 @!p3 $0x14000, s31  }
0x93: {  	s29 =	sadd.s32 @!p3 $0x2A00, s14;
	s14 =	simm.s32 @!p6 $0xB;
	_ =	swait.ge @!p5 [sflag:s5], $0x1000  }
0x94: {  	p1 =	seq.s32 s24, $0x1;
	s24 =	simm.s32 @!p0 $0x10;
	[sflag:s5] =	ssyncset.done @!p5 $0x0  }
0x95: {  	s8 =	sshrl.u32 @!p3 s8, $0x3;
	s15 =	sadd.s32 @!p1 $0x10000, s31;
	[sflag:s5] =	ssyncadd.s32 @!p5 $0xFFFFF000  }
0x96: {  	[tilespmem:s2], [sflag:$0x3] =	stream.indirect.gather @!p5 [hbm4b:s7+s4], $0x20, s1, s4, $0xb8;
	[tilespmem:$0xCF00] =	vst v63  }
0x97: {  	p2 =	por p1, p1;
	s5 =	sld [smem:$0x7F9];
	_ =	swait.ge @!p0 [sflag:s24], $0x1000  }
0x98: {  	s19 =	sadd.s32 @!p3 s22, s8;
	s15 =	sshrl.u32 @!p1 s15, $0x3;
	[sflag:s24] =	ssyncset.done @!p0 $0x0  }
0x99: {  	s2 =	simm.s32 @!p0 $0x20;
	s0 =	rddreg [dreg:$0xc];
	[sflag:s24] =	ssyncadd.s32 @!p0 $0xFFFFF000  }
0x9a: {  	[hbm4b:s0+s2] =	stream.strided.scatter @!p0 [tilespmem:s28], [sflag:$0x18], $0x1000, s25, s2, $0x38;
	[tilespmem:$0xCF00] =	vst v63  }
0x9b: {  	s4 =	simm.s32 @!p4 $0x2;
	p1 =	seq.s32 s5, $0x1;
	s0 =	sadd.s32 @!p2 s22, s15  }
0x9c: {  	p0 =	por p2, p2;
	p2 =	sne.s32 s30, $0xA000;
	[dreg:$0xd] =	wrdreg s0  }
0x9d: {  	s0 =	simm.s32 @!p2 $0x0;
	_ =	swait.ge @!p4 [sflag:s4], $0x1000;
	[dreg:$0x8] =	wrdreg s30  }
0x9e: {  	s1 =	sshrl.u32 @!p1 s31, $0x3;
	s0 =	simm.s32 @p2 $0x1;
	s15 =	rddreg [dreg:$0x7]  }
0x9f: {  	[smem:$0x7FC] =	sst s0;
	[sflag:s4] =	ssyncset.done @!p4 $0x0;
	p2 =	sge.s32 s15, s16  }
0xa0: {  	s0 =	simm.s32 @!p4 $0x80;
	[sflag:s4] =	ssyncadd.s32 @!p4 $0xFFFFF000;
	s2 =	simm.s32 @!p2 $0x14  }
0xa1: {  	[tilespmem:s18], [sflag:$0xA] =	stream.indirect.gather.add.f32 @!p4 [hbm:s6], $0x20, s13, s0, $0xb8;
	[tilespmem:$0xCF00] =	vst v63  }
0xa2: {  	s8 =	simm.s32 @!p1 $0x9;
	s1 =	sadd.s32 @!p1 s22, s1;
	_ =	swait.ge @!p2 [sflag:s2], $0x1000  }
0xa3: {  	s4 =	sshra.s32 @!p2 s12, $0x2;
	s0 =	simm.s32 @!p2 $0x80;
	[sflag:s2] =	ssyncset.done @!p2 $0x0  }
0xa4: {  	s5 =	simm.s32 @!p2 $0x7F00;
	s4 =	sadd.s32 @!p2 $0x580, s4;
	[sflag:s2] =	ssyncadd.s32 @!p2 $0xFFFFF000  }
0xa5: {  	[tilespmem:s5], [sflag:$0x4] =	stream.indirect.gather @!p2 [hbm4b:s7+s0], $0x20, s4, s0, $0xb8;
	[tilespmem:$0xCF00] =	vst v63  }
0xa6: {  	s12 =	smov.u32 s3;
	s13 =	simm.s32 @!p6 $0x80;
	_ =	swait.ge @!p1 [sflag:s8], $0x1000  }
0xa7: {  	s2 =	simm.s32 @!p1 $0x80;
	s0 =	simm.s32 @!p1 $0x20;
	[sflag:s8] =	ssyncset.done @!p1 $0x0  }
0xa8: {  	s4 =	simm.s32 @!p1 $0x4F00;
	s5 =	simm.s32 @!p6 $0x3;
	[sflag:s8] =	ssyncadd.s32 @!p1 $0xFFFFF000  }
0xa9: {  	[hbm4b:s1+s0] =	stream.strided.scatter @!p1 [tilespmem:s4], [sflag:$0x11], $0x1000, s2, s0, $0x38;
	[tilespmem:$0xCF00] =	vst v63  }
0xaa: {  	s18 =	simm.s32 @!p6 $0x6F00;
	p4 =	seq.s32 @!p0 s12, $0x0;
	_ =	swait.ge @!p6 [sflag:s5], $0x1000  }
0xab: {  	p2 =	por p4, p0;
	p4 =	sge.s32 s9, s16;
	[sflag:s5] =	ssyncset.done @!p6 $0x0  }
0xac: {  	s0 =	simm.s32 @!p2 $0x15;
	s20 =	sld [smem:$0x7FA];
	[sflag:s5] =	ssyncadd.s32 @!p6 $0xFFFFF000  }
0xad: {  	[tilespmem:s18], [sflag:$0xB] =	stream.indirect.gather.add.f32 @!p6 [hbm:s6], $0x20, s23, s13, $0xb8;
	[tilespmem:$0xCF00] =	vst v63  }
0xae: {  	s25 =	simm.s32 @!p4 $0x80;
	s15 =	sshra.s32 @!p4 s12, $0x2;
	_ =	swait.ge @!p2 [sflag:s0], $0x1000  }
0xaf: {  	s1 =	simm.s32 @!p0 $0x8F00;
	p5 =	seq.s32 s20, $0x1;
	[sflag:s0] =	ssyncset.done @!p2 $0x0  }
0xb0: {  	s2 =	simm.s32 @!p0 $0x80;
	s8 =	simm.s32 @!p5 $0xA;
	[sflag:s0] =	ssyncadd.s32 @!p2 $0xFFFFF000  }
0xb1: {  	[tilespmem:s1], [sflag:$0x5] =	stream.indirect.gather @!p0 [hbm4b:s7+s2], $0x20, s21, s2, $0xb8;
	[tilespmem:$0xCF00] =	vst v63  }
0xb2: {  	s9 =	simm.s32 @!p4 $0x7F00;
	s15 =	sadd.s32 @!p4 $0x2900, s15;
	_ =	swait.ge @!p5 [sflag:s8], $0x1000  }
0xb3: {  	s5 =	simm.s32 @!p5 $0x5F00;
	[sflag:s8] =	ssyncset.done @!p5 $0x0;
	s24 =	sld [smem:$0x7FB]  }
0xb4: {  	s20 =	simm.s32 @!p5 $0x20;
	s0 =	simm.s32 @!p5 $0x80;
	[sflag:s8] =	ssyncadd.s32 @!p5 $0xFFFFF000  }
0xb5: {  	[hbm4b:s26+s20] =	stream.strided.scatter @!p5 [tilespmem:s5], [sflag:$0x12], $0x1000, s0, s20, $0x38;
	[tilespmem:$0xCF00] =	vst v63  }
0xb6: {  	s4 =	sadd.s32 $0x6, s17;
	s8 =	simm.s32 @!p4 $0x4;
	p1 =	seq.s32 s24, $0x1  }
0xb7: {  	_ =	swait.ge @!p4 [sflag:s8], $0x1000;
	p2 =	por p1, p3;
	p1 =	sge.s32 s4, s16  }
0xb8: {  	[sflag:s8] =	ssyncset.done @!p4 $0x0;
	s21 =	rddreg [dreg:$0xe];
	s3 =	sshra.s32 @!p1 s12, $0x2  }
0xb9: {  	s4 =	simm.s32 @!p2 $0x16;
	s5 =	sadd.s32 @!p1 $0x18000, s31;
	s23 =	smov.u32 s21  }
0xba: {  	[sflag:s8] =	ssyncadd.s32 @!p4 $0xFFFFF000;
	s20 =	sadd.s32 @!p1 $0x300, s3;
	[dreg:$0x6] =	wrdreg s23  }
0xbb: {  	[tilespmem:s9], [sflag:$0xC] =	stream.indirect.gather.add.f32 @!p4 [hbm:s6], $0x20, s15, s25, $0xb8;
	[tilespmem:$0xCF00] =	vst v63  }
0xbc: {  	s8 =	sadd.s32 @!p1 $0x2A80, s3;
	s3 =	sshrl.u32 @!p1 s5, $0x3;
	_ =	swait.ge @!p2 [sflag:s4], $0x1000  }
0xbd: {  	s21 =	simm.s32 @!p3 $0x80;
	s0 =	sadd.s32 @!p1 s22, s3;
	s24 =	rddreg [dreg:$0x10]  }
0xbe: {  	[sflag:s4] =	ssyncset.done @!p2 $0x0;
	[dreg:$0xb] =	wrdreg s0;
	s26 =	smov.u32 s24  }
0xbf: {  	s23 =	simm.s32 @!p3 $0x9F00;
	[sflag:s4] =	ssyncadd.s32 @!p2 $0xFFFFF000;
	[dreg:$0x7] =	wrdreg s26  }
0xc0: {  	[tilespmem:s23], [sflag:$0x6] =	stream.indirect.gather @!p3 [hbm4b:s7+s21], $0x20, s10, s21, $0xb8;
	[tilespmem:$0xCF00] =	vst v63  }
0xc1: {  	p5 =	seq.s32 @!p1 s12, $0x0;
	s5 =	sadd.s32 @!p4 $0xC000, s31;
	_ =	swait.ge @!p6 [sflag:s14], $0x1000  }
0xc2: {  	p5 =	por p5, p1;
	s4 =	simm.s32 @!p0 $0x5;
	[sflag:s14] =	ssyncset.done @!p6 $0x0  }
0xc3: {  	s0 =	rddreg [dreg:$0xf];
	[sflag:s14] =	ssyncadd.s32 @!p6 $0xFFFFF000;
	s14 =	simm.s32 @!p6 $0x20  }
0xc4: {  	[hbm4b:s0+s14] =	stream.strided.scatter @!p6 [tilespmem:s18], [sflag:$0x13], $0x1000, s13, s14, $0x38;
	[tilespmem:$0xCF00] =	vst v63  }
0xc5: {  	s15 =	simm.s32 @!p4 $0x20;
	s5 =	sshrl.u32 @!p4 s5, $0x3;
	_ =	swait.ge @!p0 [sflag:s4], $0x1000  }
0xc6: {  	s3 =	sadd.s32 $0x7, s17;
	s5 =	sadd.s32 @!p4 s22, s5;
	[sflag:s4] =	ssyncset.done @!p0 $0x0  }
0xc7: {  	p2 =	sge.s32 s3, s16;
	[sflag:s4] =	ssyncadd.s32 @!p0 $0xFFFFF000;
	s4 =	simm.s32 @!p5 $0x17  }
0xc8: {  	[tilespmem:s1], [sflag:$0xD] =	stream.indirect.gather.add.f32 @!p0 [hbm:s6], $0x20, s11, s2, $0xb8;
	[tilespmem:$0xCF00] =	vst v63  }
0xc9: {  	s24 =	simm.s32 @!p1 $0x80;
	s10 =	simm.s32 @!p4 $0xC;
	_ =	swait.ge @!p5 [sflag:s4], $0x1000  }
0xca: {  	s26 =	simm.s32 @!p1 $0xAF00;
	p6 =	por p3, p3;
	[sflag:s4] =	ssyncset.done @!p5 $0x0  }
0xcb: {  	s13 =	sshra.s32 @!p2 s12, $0x2;
	[sflag:s4] =	ssyncadd.s32 @!p5 $0xFFFFF000;
	s4 =	sadd.s32 @!p2 $0x1C000, s31  }
0xcc: {  	[tilespmem:s26], [sflag:$0x7] =	stream.indirect.gather @!p1 [hbm4b:s7+s24], $0x20, s20, s24, $0xb8;
	[tilespmem:$0xCF00] =	vst v63  }
0xcd: {  	s14 =	sadd.s32 @!p2 $0x380, s13;
	s4 =	sshrl.u32 @!p2 s4, $0x3;
	_ =	swait.ge @!p4 [sflag:s10], $0x1000  }
0xce: {  	s11 =	sadd.s32 @!p2 $0x2B00, s13;
	s0 =	sadd.s32 @!p2 s22, s4;
	[sflag:s10] =	ssyncset.done @!p4 $0x0  }
0xcf: {  	s13 =	simm.s32 @!p6 $0x6;
	[dreg:$0xc] =	wrdreg s0;
	[sflag:s10] =	ssyncadd.s32 @!p4 $0xFFFFF000  }
0xd0: {  	[hbm4b:s5+s15] =	stream.strided.scatter @!p4 [tilespmem:s9], [sflag:$0x14], $0x1000, s25, s15, $0x38;
	[tilespmem:$0xCF00] =	vst v63  }
0xd1: {  	p3 =	seq.s32 @!p2 s12, $0x0;
	_ =	swait.ge @!p6 [sflag:s13], $0x1000  }
0xd2: {  	p3 =	por p3, p2;
	[sflag:s13] =	ssyncset.done @!p6 $0x0  }
0xd3: {  	s4 =	simm.s32 @!p3 $0x18;
	[sflag:s13] =	ssyncadd.s32 @!p6 $0xFFFFF000  }
0xd4: {  	[tilespmem:s23], [sflag:$0xE] =	stream.indirect.gather.add.f32 @!p6 [hbm:s6], $0x20, s29, s21, $0xb8;
	[tilespmem:$0xCF00] =	vst v63  }
0xd5: {  	_ =	swait.ge @!p3 [sflag:s4], $0x1000  }
0xd6: {  	s28 =	simm.s32 @!p2 $0xBF00;
	[sflag:s4] =	ssyncset.done @!p3 $0x0  }
0xd7: {  	s25 =	simm.s32 @!p2 $0x80;
	[sflag:s4] =	ssyncadd.s32 @!p3 $0xFFFFF000;
	s4 =	simm.s32 @!p0 $0xD  }
0xd8: {  	[tilespmem:s28], [sflag:$0x8] =	stream.indirect.gather @!p2 [hbm4b:s7+s25], $0x20, s14, s25, $0xb8;
	[tilespmem:$0xCF00] =	vst v63  }
0xd9: {  	_ =	swait.ge @!p0 [sflag:s4], $0x1000  }
0xda: {  	s17 =	sadd.s32 $0x8, s17;
	s5 =	simm.s32 @!p1 $0x7;
	[sflag:s4] =	ssyncset.done @!p0 $0x0  }
0xdb: {  	s14 =	simm.s32 @!p0 $0x20;
	s0 =	rddreg [dreg:$0xd];
	[sflag:s4] =	ssyncadd.s32 @!p0 $0xFFFFF000  }
0xdc: {  	[hbm4b:s0+s14] =	stream.strided.scatter @!p0 [tilespmem:s1], [sflag:$0x15], $0x1000, s2, s14, $0x38;
	[tilespmem:$0xCF00] =	vst v63  }
0xdd: {  	p5 =	sge.s32 s17, s16;
	s0 =	simm.s32 @!p1 $0x0;
	_ =	swait.ge @!p1 [sflag:s5], $0x1000  }
0xde: {  	s10 =	sshra.s32 @!p5 s12, $0x2;
	s0 =	simm.s32 @p1 $0x1;
	[sflag:s5] =	ssyncset.done @!p1 $0x0  }
0xdf: {  	s1 =	simm.s32 @!p5 $0x11;
	[smem:$0x7FD] =	sst s0;
	[sflag:s5] =	ssyncadd.s32 @!p1 $0xFFFFF000  }
0xe0: {  	[tilespmem:s26], [sflag:$0xF] =	stream.indirect.gather.add.f32 @!p1 [hbm:s6], $0x20, s8, s24, $0xb8;
	[tilespmem:$0xCF00] =	vst v63  }
0xe1: {  	s9 =	simm.s32 @!p6 $0xE;
	s4 =	rddreg [dreg:$0xa];
	_ =	swait.ge @!p5 [sflag:s1], $0x1000  }
0xe2: {  	s13 =	sadd.s32 @!p5 $0x400, s10;
	s29 =	simm.s32 @!p5 $0x4F00;
	[sflag:s1] =	ssyncset.done @!p5 $0x0  }
0xe3: {  	s8 =	rddreg [dreg:$0x9];
	[sflag:s1] =	ssyncadd.s32 @!p5 $0xFFFFF000;
	s1 =	simm.s32 @!p5 $0x80  }
0xe4: {  	[tilespmem:s29], [sflag:$0x1] =	stream.indirect.gather @!p5 [hbm4b:s7+s1], $0x20, s13, s1, $0xb8;
	[tilespmem:$0xCF00] =	vst v63  }
0xe5: {  	s14 =	sadd.s32 $0x9, s8;
	_ =	swait.ge @!p6 [sflag:s9], $0x1000  }
0xe6: {  	p3 =	sge.s32 s4, s16;
	p4 =	sge.s32 s14, s16;
	s16 =	sld [smem:$0x7FC]  }
0xe7: {  	_ =	sdelay $0x1  }
0xe8: {  	s30 =	sadd.s32 $0x3, s17;
	s18 =	simm.s32 @!p6 $0x20;
	p0 =	seq.s32 s16, $0x1  }
.Ltmp0:
0xe9: {  	s31 =	sadd.s32 $0x20000, s31;
	s20 =	smov.u32 s19;
	(pc) =	sbr.rel @p0 .LBB2_2-.Ltmp0, $4  }
0xea: {  	s22 =	sadd.s32 $0xB, s17;
	s15 =	sadd.s32 $0xA, s17;
	s10 =	sadd.s32 @!p5 $0x2B80, s10  }
0xeb: {  	s0 =	sadd.s32 $0x5, s17;
	s5 =	simm.s32 @!p2 $0x8;
	s4 =	sshra.s32 @!p4 s12, $0x2  }
0xec: {  	s2 =	simm.s32 @!p3 $0x6F00;
	s8 =	sshra.s32 @!p3 s12, $0x2;
	s19 =	sadd.s32 @!p4 $0x480, s4  }
0xed: {  	s13 =	sadd.s32 @!p4 $0x2C00, s4;
	s4 =	sadd.s32 $0x4, s17;
	[sflag:s9] =	ssyncset.done @!p6 $0x0  }
0xee: {  	[sflag:s9] =	ssyncadd.s32 @!p6 $0xFFFFF000  }
0xef: {  	[hbm4b:s20+s18] =	stream.strided.scatter @!p6 [tilespmem:s23], [sflag:$0x16], $0x1000, s21, s18, $0x38;
	[tilespmem:$0xCF00] =	vst v63  }
0xf0: {  	_ =	swait.ge @!p2 [sflag:s5], $0x1000  }
0xf1: {  	[sflag:s5] =	ssyncset.done @!p2 $0x0  }
0xf2: {  	s6 =	rddreg [dreg:$0x3];
	[sflag:s5] =	ssyncadd.s32 @!p2 $0xFFFFF000;
	s5 =	simm.s32 @!p4 $0x12  }
0xf3: {  	[tilespmem:s28], [sflag:$0x10] =	stream.indirect.gather.add.f32 @!p2 [hbm:s6], $0x20, s11, s25, $0xb8;
	[tilespmem:$0xCF00] =	vst v63  }
0xf4: {  	_ =	swait.ge @!p4 [sflag:s5], $0x1000  }
0xf5: {  	[sflag:s5] =	ssyncset.done @!p4 $0x0  }
0xf6: {  	s3 =	sld [smem:$0x7FD];
	[sflag:s5] =	ssyncadd.s32 @!p4 $0xFFFFF000  }
0xf7: {  	s9 =	simm.s32 @!p4 $0x80;
	s5 =	simm.s32 @!p4 $0x5F00;
	s18 =	rddreg [dreg:$0x0]  }
0xf8: {  	[tilespmem:s5], [sflag:$0x2] =	stream.indirect.gather @!p4 [hbm4b:s18+s9], $0x20, s19, s9, $0xb8;
	[tilespmem:$0xCF00] =	vst v63  }
0xf9: {  	p0 =	seq.s32 s3, $0x1  }
0xfa: {  	s11 =	simm.s32 @!p0 $0xF  }
0xfb: {  	_ =	swait.ge @!p0 [sflag:s11], $0x1000  }
0xfc: {  	[sflag:s11] =	ssyncset.done @!p0 $0x0  }
0xfd: {  	s3 =	rddreg [dreg:$0xb];
	[sflag:s11] =	ssyncadd.s32 @!p0 $0xFFFFF000;
	s11 =	simm.s32 @!p0 $0x20  }
0xfe: {  	[hbm4b:s3+s11] =	stream.strided.scatter @!p0 [tilespmem:s26], [sflag:$0x17], $0x1000, s24, s11, $0x38;
	[tilespmem:$0xCF00] =	vst v63  }
0xff: {  	s3 =	simm.s32 @!p5 $0x1  }
0x100: {  	_ =	swait.ge @!p5 [sflag:s3], $0x1000  }
0x101: {  	[sflag:s3] =	ssyncset.done @!p5 $0x0  }
0x102: {  	[sflag:s3] =	ssyncadd.s32 @!p5 $0xFFFFF000;
	s3 =	simm.s32 @!p3 $0x13  }
0x103: {  	[tilespmem:s29], [sflag:$0x9] =	stream.indirect.gather.add.f32 @!p5 [hbm:s6], $0x20, s10, s1, $0xb8;
	[tilespmem:$0xCF00] =	vst v63  }
0x104: {  	_ =	swait.ge @!p3 [sflag:s3], $0x1000  }
0x105: {  	[sflag:s3] =	ssyncset.done @!p3 $0x0  }
0x106: {  	s8 =	sadd.s32 @!p3 $0x500, s8;
	[sflag:s3] =	ssyncadd.s32 @!p3 $0xFFFFF000;
	s3 =	simm.s32 @!p3 $0x80  }
0x107: {  	[tilespmem:s2], [sflag:$0x3] =	stream.indirect.gather @!p3 [hbm4b:s18+s3], $0x20, s8, s3, $0xb8;
	[tilespmem:$0xCF00] =	vst v63  }
0x108: {  	s2 =	simm.s32 @!p2 $0x10  }
0x109: {  	_ =	swait.ge @!p2 [sflag:s2], $0x1000  }
0x10a: {  	[sflag:s2] =	ssyncset.done @!p2 $0x0  }
0x10b: {  	s3 =	rddreg [dreg:$0xc];
	[sflag:s2] =	ssyncadd.s32 @!p2 $0xFFFFF000;
	s2 =	simm.s32 @!p2 $0x20  }
0x10c: {  	[hbm4b:s3+s2] =	stream.strided.scatter @!p2 [tilespmem:s28], [sflag:$0x18], $0x1000, s25, s2, $0x38;
	[tilespmem:$0xCF00] =	vst v63  }
0x10d: {  	s2 =	simm.s32 @!p4 $0x2  }
0x10e: {  	s16 =	rddreg [dreg:$0x5];
	_ =	swait.ge @!p4 [sflag:s2], $0x1000  }
0x10f: {  	s26 =	sadd.s32 $0x2, s17;
	s10 =	simm.s32 @!p5 $0x9;
	s7 =	rddreg [dreg:$0x7]  }
0x110: {  	p0 =	sge.s32 s4, s16;
	[sflag:s2] =	ssyncset.done @!p4 $0x0;
	p2 =	sge.s32 s7, s16  }
0x111: {  	s28 =	sadd.s32 $0x1, s17;
	[sflag:s2] =	ssyncadd.s32 @!p4 $0xFFFFF000;
	s2 =	simm.s32 @!p2 $0x14  }
0x112: {  	[tilespmem:s5], [sflag:$0xA] =	stream.indirect.gather.add.f32 @!p4 [hbm:s6], $0x20, s13, s9, $0xb8;
	[tilespmem:$0xCF00] =	vst v63  }
0x113: {  	s3 =	simm.s32 @!p5 $0x20;
	p6 =	sge.s32 s28, s16;
	_ =	swait.ge @!p2 [sflag:s2], $0x1000  }
0x114: {  	s5 =	sshra.s32 @!p2 s12, $0x2;
	s8 =	simm.s32 @!p2 $0x80;
	[sflag:s2] =	ssyncset.done @!p2 $0x0  }
0x115: {  	s9 =	simm.s32 @!p2 $0x7F00;
	s5 =	sadd.s32 @!p2 $0x580, s5;
	[sflag:s2] =	ssyncadd.s32 @!p2 $0xFFFFF000  }
0x116: {  	[tilespmem:s9], [sflag:$0x4] =	stream.indirect.gather @!p2 [hbm4b:s18+s8], $0x20, s5, s8, $0xb8;
	[tilespmem:$0xCF00] =	vst v63  }
0x117: {  	s4 =	sadd.s32 @!p6 $0x4000, s31;
	s11 =	simm.s32 @!p6 $0xA;
	p2 =	sge.s32 s26, s16  }
0x118: {  	s2 =	sshrl.u32 @!p5 s31, $0x3;
	_ =	swait.ge @!p5 [sflag:s10], $0x1000;
	s5 =	simm.s32 @!p2 $0x3  }
0x119: {  	s8 =	simm.s32 @!p2 $0x80;
	s19 =	rddreg [dreg:$0x4];
	[sflag:s10] =	ssyncset.done @!p5 $0x0  }
0x11a: {  	s20 =	rddreg [dreg:$0x6];
	s2 =	sadd.s32 @!p5 s19, s2;
	[sflag:s10] =	ssyncadd.s32 @!p5 $0xFFFFF000  }
0x11b: {  	[hbm4b:s2+s3] =	stream.strided.scatter @!p5 [tilespmem:s29], [sflag:$0x11], $0x1000, s1, s3, $0x38;
	[tilespmem:$0xCF00] =	vst v63  }
0x11c: {  	p3 =	seq.s32 @!p0 s20, $0x0;
	s1 =	sshra.s32 @!p2 s20, $0x2;
	_ =	swait.ge @!p2 [sflag:s5], $0x1000  }
0x11d: {  	p1 =	por p3, p0;
	s1 =	sadd.s32 @!p2 $0x2880, s1;
	[sflag:s5] =	ssyncset.done @!p2 $0x0  }
0x11e: {  	s3 =	simm.s32 @!p1 $0x15;
	[sflag:s5] =	ssyncadd.s32 @!p2 $0xFFFFF000;
	s5 =	simm.s32 @!p2 $0x6F00  }
0x11f: {  	[tilespmem:s5], [sflag:$0xB] =	stream.indirect.gather.add.f32 @!p2 [hbm:s6], $0x20, s1, s8, $0xb8;
	[tilespmem:$0xCF00] =	vst v63  }
0x120: {  	s4 =	sshrl.u32 @!p6 s4, $0x3;
	s9 =	sshra.s32 @!p0 s20, $0x2;
	_ =	swait.ge @!p1 [sflag:s3], $0x1000  }
0x121: {  	s7 =	simm.s32 @!p6 $0x80;
	s10 =	sadd.s32 @!p0 $0x200, s9;
	[sflag:s3] =	ssyncset.done @!p1 $0x0  }
0x122: {  	s2 =	simm.s32 @!p0 $0x80;
	s1 =	simm.s32 @!p0 $0x8F00;
	[sflag:s3] =	ssyncadd.s32 @!p1 $0xFFFFF000  }
0x123: {  	[tilespmem:s1], [sflag:$0x5] =	stream.indirect.gather @!p0 [hbm4b:s18+s2], $0x20, s10, s2, $0xb8;
	[tilespmem:$0xCF00] =	vst v63  }
0x124: {  	p3 =	sge.s32 s30, s16;
	s3 =	sadd.s32 @!p6 s19, s4;
	_ =	swait.ge @!p6 [sflag:s11], $0x1000  }
0x125: {  	p1 =	sge.s32 s0, s16;
	s4 =	simm.s32 @!p6 $0x5F00;
	[sflag:s11] =	ssyncset.done @!p6 $0x0  }
0x126: {  	s10 =	simm.s32 @!p6 $0x20;
	p4 =	seq.s32 @!p1 s20, $0x0;
	[sflag:s11] =	ssyncadd.s32 @!p6 $0xFFFFF000  }
0x127: {  	[hbm4b:s3+s10] =	stream.strided.scatter @!p6 [tilespmem:s4], [sflag:$0x12], $0x1000, s7, s10, $0x38;
	[tilespmem:$0xCF00] =	vst v63  }
0x128: {  	p4 =	por p4, p1;
	s3 =	simm.s32 @!p3 $0x4  }
0x129: {  	s11 =	simm.s32 @!p4 $0x16;
	_ =	swait.ge @!p3 [sflag:s3], $0x1000  }
0x12a: {  	s4 =	simm.s32 @!p3 $0x80;
	s7 =	sshra.s32 @!p3 s20, $0x2;
	[sflag:s3] =	ssyncset.done @!p3 $0x0  }
0x12b: {  	s10 =	simm.s32 @!p3 $0x7F00;
	s7 =	sadd.s32 @!p3 $0x2900, s7;
	[sflag:s3] =	ssyncadd.s32 @!p3 $0xFFFFF000  }
0x12c: {  	[tilespmem:s10], [sflag:$0xC] =	stream.indirect.gather.add.f32 @!p3 [hbm:s6], $0x20, s7, s4, $0xb8;
	[tilespmem:$0xCF00] =	vst v63  }
0x12d: {  	s12 =	sshra.s32 @!p1 s20, $0x2;
	_ =	swait.ge @!p4 [sflag:s11], $0x1000  }
0x12e: {  	s14 =	simm.s32 @!p2 $0xB;
	s13 =	sadd.s32 @!p1 $0x280, s12;
	[sflag:s11] =	ssyncset.done @!p4 $0x0  }
0x12f: {  	s3 =	simm.s32 @!p1 $0x80;
	s7 =	simm.s32 @!p1 $0x9F00;
	[sflag:s11] =	ssyncadd.s32 @!p4 $0xFFFFF000  }
0x130: {  	[tilespmem:s7], [sflag:$0x6] =	stream.indirect.gather @!p1 [hbm4b:s18+s3], $0x20, s13, s3, $0xb8;
	[tilespmem:$0xCF00] =	vst v63  }
0x131: {  	s11 =	sadd.s32 @!p2 $0x8000, s31;
	_ =	swait.ge @!p2 [sflag:s14], $0x1000  }
0x132: {  	s11 =	sshrl.u32 @!p2 s11, $0x3;
	[sflag:s14] =	ssyncset.done @!p2 $0x0  }
0x133: {  	s13 =	simm.s32 @!p2 $0x20;
	s11 =	sadd.s32 @!p2 s19, s11;
	[sflag:s14] =	ssyncadd.s32 @!p2 $0xFFFFF000  }
0x134: {  	[hbm4b:s11+s13] =	stream.strided.scatter @!p2 [tilespmem:s5], [sflag:$0x13], $0x1000, s8, s13, $0x38;
	[tilespmem:$0xCF00] =	vst v63  }
0x135: {  	s8 =	sadd.s32 $0x6, s17  }
0x136: {  	s5 =	simm.s32 @!p0 $0x5;
	p2 =	sge.s32 s8, s16  }
0x137: {  	_ =	swait.ge @!p0 [sflag:s5], $0x1000;
	p4 =	seq.s32 @!p2 s20, $0x0  }
0x138: {  	[sflag:s5] =	ssyncset.done @!p0 $0x0;
	p4 =	por p4, p2  }
0x139: {  	s8 =	sadd.s32 @!p0 $0x2980, s9;
	[sflag:s5] =	ssyncadd.s32 @!p0 $0xFFFFF000;
	s5 =	simm.s32 @!p4 $0x17  }
0x13a: {  	[tilespmem:s1], [sflag:$0xD] =	stream.indirect.gather.add.f32 @!p0 [hbm:s6], $0x20, s8, s2, $0xb8;
	[tilespmem:$0xCF00] =	vst v63  }
0x13b: {  	s14 =	simm.s32 @!p3 $0xC;
	_ =	swait.ge @!p4 [sflag:s5], $0x1000  }
0x13c: {  	s13 =	sshra.s32 @!p2 s20, $0x2;
	s9 =	simm.s32 @!p2 $0xAF00;
	[sflag:s5] =	ssyncset.done @!p4 $0x0  }
0x13d: {  	s11 =	sadd.s32 @!p2 $0x300, s13;
	s8 =	simm.s32 @!p2 $0x80;
	[sflag:s5] =	ssyncadd.s32 @!p4 $0xFFFFF000  }
0x13e: {  	[tilespmem:s9], [sflag:$0x7] =	stream.indirect.gather @!p2 [hbm4b:s18+s8], $0x20, s11, s8, $0xb8;
	[tilespmem:$0xCF00] =	vst v63  }
0x13f: {  	s5 =	sadd.s32 @!p3 $0xC000, s31;
	_ =	swait.ge @!p3 [sflag:s14], $0x1000  }
0x140: {  	s5 =	sshrl.u32 @!p3 s5, $0x3;
	[sflag:s14] =	ssyncset.done @!p3 $0x0  }
0x141: {  	s11 =	simm.s32 @!p3 $0x20;
	s5 =	sadd.s32 @!p3 s19, s5;
	[sflag:s14] =	ssyncadd.s32 @!p3 $0xFFFFF000  }
0x142: {  	[hbm4b:s5+s11] =	stream.strided.scatter @!p3 [tilespmem:s10], [sflag:$0x14], $0x1000, s4, s11, $0x38;
	[tilespmem:$0xCF00] =	vst v63  }
0x143: {  	s11 =	sadd.s32 $0x7, s17  }
0x144: {  	s4 =	simm.s32 @!p1 $0x6;
	p3 =	sge.s32 s11, s16  }
0x145: {  	_ =	swait.ge @!p1 [sflag:s4], $0x1000;
	p4 =	seq.s32 @!p3 s20, $0x0  }
0x146: {  	[sflag:s4] =	ssyncset.done @!p1 $0x0;
	p4 =	por p4, p3  }
0x147: {  	s5 =	sadd.s32 @!p1 $0x2A00, s12;
	[sflag:s4] =	ssyncadd.s32 @!p1 $0xFFFFF000;
	s10 =	simm.s32 @!p4 $0x18  }
0x148: {  	[tilespmem:s7], [sflag:$0xE] =	stream.indirect.gather.add.f32 @!p1 [hbm:s6], $0x20, s5, s3, $0xb8;
	[tilespmem:$0xCF00] =	vst v63  }
0x149: {  	s12 =	simm.s32 @!p0 $0xD;
	_ =	swait.ge @!p4 [sflag:s10], $0x1000  }
0x14a: {  	s11 =	simm.s32 @!p3 $0xBF00;
	s4 =	sshra.s32 @!p3 s20, $0x2;
	[sflag:s10] =	ssyncset.done @!p4 $0x0  }
0x14b: {  	s5 =	sadd.s32 @!p3 $0x380, s4;
	[sflag:s10] =	ssyncadd.s32 @!p4 $0xFFFFF000;
	s10 =	simm.s32 @!p3 $0x80  }
0x14c: {  	[tilespmem:s11], [sflag:$0x8] =	stream.indirect.gather @!p3 [hbm4b:s18+s10], $0x20, s5, s10, $0xb8;
	[tilespmem:$0xCF00] =	vst v63  }
0x14d: {  	s5 =	sadd.s32 @!p0 $0x10000, s31;
	_ =	swait.ge @!p0 [sflag:s12], $0x1000  }
0x14e: {  	s5 =	sshrl.u32 @!p0 s5, $0x3;
	[sflag:s12] =	ssyncset.done @!p0 $0x0  }
0x14f: {  	s5 =	sadd.s32 @!p0 s19, s5;
	[sflag:s12] =	ssyncadd.s32 @!p0 $0xFFFFF000;
	s12 =	simm.s32 @!p0 $0x20  }
0x150: {  	[hbm4b:s5+s12] =	stream.strided.scatter @!p0 [tilespmem:s1], [sflag:$0x15], $0x1000, s2, s12, $0x38;
	[tilespmem:$0xCF00] =	vst v63  }
0x151: {  	s1 =	simm.s32 @!p2 $0x7  }
0x152: {  	s14 =	sadd.s32 $0x8, s17;
	_ =	swait.ge @!p2 [sflag:s1], $0x1000  }
0x153: {  	p0 =	sge.s32 s14, s16;
	[sflag:s1] =	ssyncset.done @!p2 $0x0  }
0x154: {  	s2 =	sadd.s32 @!p2 $0x2A80, s13;
	[sflag:s1] =	ssyncadd.s32 @!p2 $0xFFFFF000;
	s1 =	simm.s32 @!p0 $0x11  }
0x155: {  	[tilespmem:s9], [sflag:$0xF] =	stream.indirect.gather.add.f32 @!p2 [hbm:s6], $0x20, s2, s8, $0xb8;
	[tilespmem:$0xCF00] =	vst v63  }
0x156: {  	s12 =	simm.s32 @!p1 $0xE;
	_ =	swait.ge @!p0 [sflag:s1], $0x1000  }
0x157: {  	s13 =	simm.s32 @!p0 $0x4F00;
	s2 =	sshra.s32 @!p0 s20, $0x2;
	[sflag:s1] =	ssyncset.done @!p0 $0x0  }
0x158: {  	s5 =	sadd.s32 @!p0 $0x400, s2;
	[sflag:s1] =	ssyncadd.s32 @!p0 $0xFFFFF000;
	s1 =	simm.s32 @!p0 $0x80  }
0x159: {  	[tilespmem:s13], [sflag:$0x1] =	stream.indirect.gather @!p0 [hbm4b:s18+s1], $0x20, s5, s1, $0xb8;
	[tilespmem:$0xCF00] =	vst v63  }
0x15a: {  	s5 =	sadd.s32 @!p1 $0x14000, s31;
	_ =	swait.ge @!p1 [sflag:s12], $0x1000  }
0x15b: {  	s5 =	sshrl.u32 @!p1 s5, $0x3;
	[sflag:s12] =	ssyncset.done @!p1 $0x0  }
0x15c: {  	s5 =	sadd.s32 @!p1 s19, s5;
	[sflag:s12] =	ssyncadd.s32 @!p1 $0xFFFFF000;
	s12 =	simm.s32 @!p1 $0x20  }
0x15d: {  	[hbm4b:s5+s12] =	stream.strided.scatter @!p1 [tilespmem:s7], [sflag:$0x16], $0x1000, s3, s12, $0x38;
	[tilespmem:$0xCF00] =	vst v63  }
0x15e: {  	s3 =	simm.s32 @!p3 $0x8  }
0x15f: {  	s17 =	sadd.s32 $0x9, s17;
	_ =	swait.ge @!p3 [sflag:s3], $0x1000  }
0x160: {  	p1 =	sge.s32 s17, s16;
	[sflag:s3] =	ssyncset.done @!p3 $0x0  }
0x161: {  	s4 =	sadd.s32 @!p3 $0x2B00, s4;
	[sflag:s3] =	ssyncadd.s32 @!p3 $0xFFFFF000;
	s3 =	simm.s32 @!p1 $0x12  }
0x162: {  	[tilespmem:s11], [sflag:$0x10] =	stream.indirect.gather.add.f32 @!p3 [hbm:s6], $0x20, s4, s10, $0xb8;
	[tilespmem:$0xCF00] =	vst v63  }
0x163: {  	s7 =	simm.s32 @!p1 $0x80;
	_ =	swait.ge @!p1 [sflag:s3], $0x1000  }
0x164: {  	s12 =	simm.s32 @!p1 $0x5F00;
	s4 =	sshra.s32 @!p1 s20, $0x2;
	[sflag:s3] =	ssyncset.done @!p1 $0x0  }
0x165: {  	s5 =	sadd.s32 @!p1 $0x480, s4;
	[sflag:s3] =	ssyncadd.s32 @!p1 $0xFFFFF000;
	s3 =	simm.s32 @!p2 $0xF  }
0x166: {  	[tilespmem:s12], [sflag:$0x2] =	stream.indirect.gather @!p1 [hbm4b:s18+s7], $0x20, s5, s7, $0xb8;
	[tilespmem:$0xCF00] =	vst v63  }
0x167: {  	s5 =	sadd.s32 @!p2 $0x18000, s31;
	_ =	swait.ge @!p2 [sflag:s3], $0x1000  }
0x168: {  	s5 =	sshrl.u32 @!p2 s5, $0x3;
	[sflag:s3] =	ssyncset.done @!p2 $0x0  }
0x169: {  	s5 =	sadd.s32 @!p2 s19, s5;
	[sflag:s3] =	ssyncadd.s32 @!p2 $0xFFFFF000;
	s3 =	simm.s32 @!p2 $0x20  }
0x16a: {  	[hbm4b:s5+s3] =	stream.strided.scatter @!p2 [tilespmem:s9], [sflag:$0x17], $0x1000, s8, s3, $0x38;
	[tilespmem:$0xCF00] =	vst v63  }
0x16b: {  	s3 =	simm.s32 @!p0 $0x1  }
0x16c: {  	_ =	swait.ge @!p0 [sflag:s3], $0x1000  }
0x16d: {  	[sflag:s3] =	ssyncset.done @!p0 $0x0  }
0x16e: {  	s2 =	sadd.s32 @!p0 $0x2B80, s2;
	[sflag:s3] =	ssyncadd.s32 @!p0 $0xFFFFF000  }
0x16f: {  	[tilespmem:s13], [sflag:$0x9] =	stream.indirect.gather.add.f32 @!p0 [hbm:s6], $0x20, s2, s1, $0xb8;
	[tilespmem:$0xCF00] =	vst v63  }
0x170: {  	p0 =	sge.s32 s15, s16  }
0x171: {  	s1 =	simm.s32 @!p0 $0x13  }
0x172: {  	_ =	swait.ge @!p0 [sflag:s1], $0x1000  }
0x173: {  	s2 =	simm.s32 @!p0 $0x6F00;
	s3 =	sshra.s32 @!p0 s20, $0x2;
	[sflag:s1] =	ssyncset.done @!p0 $0x0  }
0x174: {  	s3 =	sadd.s32 @!p0 $0x500, s3;
	[sflag:s1] =	ssyncadd.s32 @!p0 $0xFFFFF000;
	s1 =	simm.s32 @!p0 $0x80  }
0x175: {  	[tilespmem:s2], [sflag:$0x3] =	stream.indirect.gather @!p0 [hbm4b:s18+s1], $0x20, s3, s1, $0xb8;
	[tilespmem:$0xCF00] =	vst v63  }
0x176: {  	s1 =	simm.s32 @!p3 $0x10  }
0x177: {  	s2 =	sadd.s32 @!p3 $0x1C000, s31;
	_ =	swait.ge @!p3 [sflag:s1], $0x1000  }
0x178: {  	s2 =	sshrl.u32 @!p3 s2, $0x3;
	[sflag:s1] =	ssyncset.done @!p3 $0x0  }
0x179: {  	s2 =	sadd.s32 @!p3 s19, s2;
	[sflag:s1] =	ssyncadd.s32 @!p3 $0xFFFFF000;
	s1 =	simm.s32 @!p3 $0x20  }
0x17a: {  	[hbm4b:s2+s1] =	stream.strided.scatter @!p3 [tilespmem:s11], [sflag:$0x18], $0x1000, s10, s1, $0x38;
	[tilespmem:$0xCF00] =	vst v63  }
0x17b: {  	s1 =	simm.s32 @!p1 $0x2  }
0x17c: {  	_ =	swait.ge @!p1 [sflag:s1], $0x1000  }
0x17d: {  	[sflag:s1] =	ssyncset.done @!p1 $0x0  }
0x17e: {  	p0 =	sge.s32 s22, s16;
	[sflag:s1] =	ssyncadd.s32 @!p1 $0xFFFFF000;
	s1 =	sadd.s32 @!p1 $0x2C00, s4  }
0x17f: {  	[tilespmem:s12], [sflag:$0xA] =	stream.indirect.gather.add.f32 @!p1 [hbm:s6], $0x20, s1, s7, $0xb8;
	[tilespmem:$0xCF00] =	vst v63  }
0x180: {  	s1 =	simm.s32 @!p0 $0x14  }
0x181: {  	s0 =	sshra.s32 @!p0 s20, $0x2;
	_ =	swait.ge @!p0 [sflag:s1], $0x1000  }
0x182: {  	s21 =	simm.s32 $0x11;
	s0 =	sadd.s32 @!p0 $0x580, s0;
	[sflag:s1] =	ssyncset.done @!p0 $0x0  }
0x183: {  	s2 =	simm.s32 @!p0 $0x80;
	[sflag:s1] =	ssyncadd.s32 @!p0 $0xFFFFF000;
	s1 =	simm.s32 @!p0 $0x7F00  }
0x184: {  	[tilespmem:s1], [sflag:$0x4] =	stream.indirect.gather @!p0 [hbm4b:s18+s2], $0x20, s0, s2, $0xb8;
	[tilespmem:$0xCF00] =	vst v63  }
0x185: {  	_ =	swait.ge [sflag:s21], $0x1000  }
0x186: {  	[sflag:s21] =	ssyncset.done $0x0  }
0x187: {  	s22 =	simm.s32 $0x12;
	[sflag:s21] =	ssyncadd.s32 $0xFFFFF000  }
0x188: {  	_ =	swait.ge [sflag:s22], $0x1000  }
0x189: {  	[sflag:s22] =	ssyncset.done $0x0  }
0x18a: {  	s23 =	simm.s32 $0x13;
	[sflag:s22] =	ssyncadd.s32 $0xFFFFF000  }
0x18b: {  	_ =	swait.ge [sflag:s23], $0x1000  }
0x18c: {  	[sflag:s23] =	ssyncset.done $0x0  }
0x18d: {  	s24 =	simm.s32 $0x14;
	[sflag:s23] =	ssyncadd.s32 $0xFFFFF000  }
0x18e: {  	_ =	swait.ge [sflag:s24], $0x1000  }
0x18f: {  	[sflag:s24] =	ssyncset.done $0x0  }
0x190: {  	s25 =	simm.s32 $0x15;
	[sflag:s24] =	ssyncadd.s32 $0xFFFFF000  }
0x191: {  	_ =	swait.ge [sflag:s25], $0x1000  }
0x192: {  	[sflag:s25] =	ssyncset.done $0x0  }
0x193: {  	s26 =	simm.s32 $0x16;
	[sflag:s25] =	ssyncadd.s32 $0xFFFFF000  }
0x194: {  	_ =	swait.ge [sflag:s26], $0x1000  }
0x195: {  	[sflag:s26] =	ssyncset.done $0x0  }
0x196: {  	s28 =	simm.s32 $0x17;
	[sflag:s26] =	ssyncadd.s32 $0xFFFFF000  }
0x197: {  	_ =	swait.ge [sflag:s28], $0x1000  }
0x198: {  	[sflag:s28] =	ssyncset.done $0x0  }
0x199: {  	s29 =	simm.s32 $0x18;
	[sflag:s28] =	ssyncadd.s32 $0xFFFFF000  }
0x19a: {  	_ =	swait.ge [sflag:s29], $0x1000  }
0x19b: {  	s30 =	rddreg [dreg:$0x15]  }
0x19c: {  	s31 =	rddreg [dreg:$0x13];
	s2 =	sadd.s32 $0x1, s30  }
0x19d: {  	p0 =	sne.s32 s2, s31  }
.Ltmp1:
0x19e: {  	_ = 	snop;
	(pc) =	sbr.rel @p0 .LBB2_1-.Ltmp1, $3  }
0x19f: {  	_ =	sdelay $0x1  }
0x1a0: {  	[sflag:s29] =	ssyncset.done $0x0  }
0x1a1: {  	[sflag:s29] =	ssyncadd.s32 $0xFFFFF000  }
0x1a2: {  	_ =	sfence.sel $0x180000  }
0x1a3: {  	[bflag:$0x0] =	sbarrier.arrive $0xFFFF  }
0x1a4: {  	_ =	strace $0x90000047  }
0x1a5: {  	s0 =	stileid.u32;
	[bflag:$0x2] =	sbarrier.arrive $0xFFFF  }
0x1a6: {  	p0 =	sne.s32 s0, $0x0;
	s0 =	rddreg [dreg:$0x2]  }
0x1a7: {  	s0 =	sadd.s32 @!p0 $0x100000, s0  }
0x1a8: {  	[sflag:s0] =	ssyncadd.tile.s32 @!p0 $0x1;
	_ =	shalt  }
.Lfunc_end2:
_tile_overlayer_lowered:
.L_overlay_start_2:
0x1a9: {  	(tag) =	ssettag $0x2  }
0x1aa: {  	s0 =	rddreg [dreg:$0x0];
	s2 =	stileid.u32  }
0x1ab: {  	s1 =	rddreg [dreg:$0x1];
	p0 =	sne.s32 s2, $0x0  }
0x1ac: {  	s3 =	rddreg [dreg:$0x2];
	[bflag:$0x3] =	sbarrier.arrive $0xFFFF;
	s2 =	simm.s32 @!p0 $0x1C19  }
0x1ad: {  	[timem:s3], [sflag:s2] =	dma.local @!p0 [hbm:s0], s1  }
0x1ae: {  	s0 =	simm.s32 @!p0 $0x19  }
0x1af: {  	_ =	swait.ge @!p0 [sflag:s0], s1  }
0x1b0: {  	s1 =	ssub.s32 @!p0 $0x0, s1;
	[sflag:s0] =	ssyncset.done @!p0 $0x0  }
0x1b1: {  	[sflag:s0] =	ssyncadd.s32 @!p0 s1  }
0x1b2: {  	[bflag:$0x3] =	sbarrier.arrive $0xFFFF  }
0x1b3: {  	_ =	shalt  }

</sc_bundles>
